<compile_context>
chip_gen: v7x
topology: tpu7x:2x2x1
jax: 0.10.2.dev20260603
libtpu: 0.0.44.dev20260713+nightly
codegen_flags: <defaults>
</compile_context>

<pallas_src>
import functools

import jax
import jax.numpy as jnp
from jax.experimental import pallas as pl

_HIGH = jax.lax.Precision.HIGHEST


def _conv_pool_body(p_ref, w_ref, b_ref, o_ref):
    w = w_ref[...]
    z0 = jax.lax.dot(p_ref[0, :, :], w, precision=_HIGH)
    z1 = jax.lax.dot(p_ref[1, :, :], w, precision=_HIGH)
    z2 = jax.lax.dot(p_ref[2, :, :], w, precision=_HIGH)
    z3 = jax.lax.dot(p_ref[3, :, :], w, precision=_HIGH)
    z = jnp.maximum(jnp.maximum(z0, z1), jnp.maximum(z2, z3))
    o_ref[...] = jnp.maximum(z + b_ref[...], 0.0)


def _conv_pool_gemm(pq, w, b, tm):
    _, m, k = pq.shape
    c = w.shape[1]
    grid = m // tm
    return pl.pallas_call(
        _conv_pool_body,
        grid=(grid,),
        in_specs=[
            pl.BlockSpec((4, tm, k), lambda i: (0, i, 0)),
            pl.BlockSpec((k, c), lambda i: (0, 0)),
            pl.BlockSpec((1, c), lambda i: (0, 0)),
        ],
        out_specs=pl.BlockSpec((tm, c), lambda i: (i, 0)),
        out_shape=jax.ShapeDtypeStruct((m, c), jnp.float32),
    )(pq, w, b)


_B = 1024
_K_RANK = 308
_N0 = 1.7
_STEP = 0.1
_MAXM = 4096


def _grid_val(m):
    return jnp.float32(_N0) + jnp.float32(_STEP) * m.astype(jnp.float32)


def _mega_body(h800_ref, fcw_ref, fcb_ref, gw_ref, gb_ref, o_ref):
    h = jnp.maximum(
        jax.lax.dot(h800_ref[...], fcw_ref[...], precision=_HIGH)
        + fcb_ref[...], 0.0)
    g = jax.lax.dot_general(h, h, (((1,), (1,)), ((), ())),
                            precision=_HIGH)
    rows = jax.lax.broadcasted_iota(jnp.int32, (_B, _B), 0)
    cols = jax.lax.broadcasted_iota(jnp.int32, (_B, _B), 1)
    eye = rows == cols
    sq = jnp.sum(jnp.where(eye, g, 0.0), axis=1)
    d2 = jnp.maximum(sq[:, None] + sq[None, :] - 2.0 * g, 0.0)
    dist = jnp.sqrt(d2)
    dist = jnp.where(eye, jnp.inf, dist)

    def bs_step(_, carry):
        lo, hi = carry
        mid = (lo + hi) // 2
        cnt = jnp.sum((dist < _grid_val(mid)).astype(jnp.int32))
        ge = cnt >= _K_RANK
        return (jnp.where(ge, lo, mid + 1), jnp.where(ge, mid, hi))

    lo0 = jnp.int32(0)
    hi0 = jnp.int32(_MAXM)
    _, m_star = jax.lax.fori_loop(0, 13, bs_step, (lo0, hi0))
    thr = _grid_val(m_star)

    ahat = jnp.where(eye, 1.0, jnp.where(dist < thr, 1.0, 0.0))
    deg = jnp.sum(ahat, axis=0)
    dinv = jax.lax.rsqrt(deg)
    xw = jax.lax.dot(h, gw_ref[...], precision=_HIGH)
    s = xw * dinv[:, None]
    agg = jax.lax.dot(ahat, s, precision=_HIGH)
    out = agg * dinv[:, None] + gb_ref[...]

    mx = jnp.max(out, axis=1, keepdims=True)
    e = jnp.exp(out - mx)
    lse = jnp.log(jnp.sum(e, axis=1, keepdims=True))
    o_ref[...] = out - mx - lse


def _mega(h800, fc_w, fc_b, gcn_w, gcn_b):
    return pl.pallas_call(
        _mega_body,
        out_shape=jax.ShapeDtypeStruct((_B, 3), jnp.float32),
    )(h800, fc_w, fc_b.reshape(1, -1), gcn_w, gcn_b.reshape(1, -1))


def _quadrants(p, hw2):
    b = p.shape[0]
    k = p.shape[3]
    p = p.reshape(b, hw2, 2, hw2, 2, k)
    p = p.transpose(2, 4, 0, 1, 3, 5)
    return p.reshape(4, b * hw2 * hw2, k)


@jax.jit
def kernel(x, conv1_w, conv1_b, conv2_w, conv2_b, fc_w, fc_b, gcn_w, gcn_b):
    img = x[0][:, 0]

    p1 = jnp.stack([img[:, dy:dy + 24, dx:dx + 24]
                    for dy in range(5) for dx in range(5)], axis=-1)
    pq1 = _quadrants(p1, 12)
    w1 = conv1_w.reshape(20, 25).T
    c1 = _conv_pool_gemm(pq1, w1, conv1_b.reshape(1, 20), 1024)
    c1 = c1.reshape(_B, 12, 12, 20)

    p2 = jnp.concatenate([c1[:, dy:dy + 8, dx:dx + 8, :]
                          for dy in range(5) for dx in range(5)], axis=-1)
    pq2 = _quadrants(p2, 4)
    w2 = conv2_w.transpose(2, 3, 1, 0).reshape(500, 50)
    c2 = _conv_pool_gemm(pq2, w2, conv2_b.reshape(1, 50), 512)
    c2 = c2.reshape(_B, 4, 4, 50)

    h800 = c2.transpose(0, 3, 1, 2).reshape(_B, 800)

    return _mega(h800, fc_w, fc_b, gcn_w, gcn_b)

# --- scband reference (transcript-rebuilt; emitter-appended) ---
"""Pipeline reference for scband-graph-based-61564061221542 (READ-ONLY COPY).

The authoritative reference and input builder live on the scoring server;
editing this copy changes nothing except your own understanding.
"""

import jax, jax.numpy as jnp
import numpy as np


def _conv2d(x, w, b):
    y = jax.lax.conv_general_dilated(x, w, window_strides=(1, 1), padding='VALID',
                                     dimension_numbers=('NCHW', 'OIHW', 'NCHW'))
    return y + b[None, :, None, None]


def _maxpool2(x):
    return jax.lax.reduce_window(x, -jnp.inf, jax.lax.max, (1, 1, 2, 2), (1, 1, 2, 2), 'VALID')


def _features(x, conv1_w, conv1_b, conv2_w, conv2_b, fc_w, fc_b):
    h = x[0]  # squeeze(0) -> [B, 1, 28, 28]
    h = jax.nn.relu(_conv2d(h, conv1_w, conv1_b))
    h = _maxpool2(h)
    h = jax.nn.relu(_conv2d(h, conv2_w, conv2_b))
    h = _maxpool2(h)
    h = h.reshape(-1, 50 * 4 * 4)
    h = jax.nn.relu(h @ fc_w + fc_b)
    return h


def _build_edges(H, n0=1.7, step=0.1, num_adj_parm=0.3):
    # Faithful to convert_bag_to_graph_: connect i->j (i!=j) when euclid dist < N,
    # raising N by n_step until >= num_adj_parm * B edges exist. Computed in
    # closed form from the sorted pairwise distances (equivalent result).
    B = H.shape[0]
    G = jnp.matmul(H, H.T, precision=jax.lax.Precision.HIGHEST)
    sq = jnp.diag(G)
    d2 = jnp.clip(sq[:, None] + sq[None, :] - 2.0 * G, 0.0, None)
    dist = jnp.sqrt(d2)
    dist = jnp.where(jnp.eye(B, dtype=bool), jnp.inf, dist)
    needed = num_adj_parm * B
    count = jnp.sum(dist < n0)
    k = int(np.ceil(needed))
    n_finite = B * B - B
    flat = jnp.sort(dist.ravel())
    d_k = flat[min(k, n_finite) - 1]
    steps = jnp.floor((d_k - n0) / step).astype(jnp.int32) + 1
    N_raised = n0 + step * jnp.maximum(steps, 1)
    N = jnp.where(count < needed, N_raised, jnp.asarray(n0, dist.dtype))
    return dist < N


def _gcn(x, adj, W, b):
    # PyG-style GCNConv: add self-loops, symmetric normalization, scatter-add aggregation.
    n = x.shape[0]
    ar = jnp.arange(n, dtype=jnp.int32)
    src = jnp.concatenate([jnp.repeat(ar, n), ar])
    dst = jnp.concatenate([jnp.tile(ar, n), ar])
    w_all = jnp.concatenate([adj.astype(x.dtype).ravel(), jnp.ones((n,), dtype=x.dtype)])
    deg = jnp.zeros((n,), dtype=x.dtype).at[dst].add(w_all)
    dinv = jnp.where(deg > 0, deg ** -0.5, 0.0)
    norm = dinv[src] * dinv[dst] * w_all
    xw = x @ W
    msg = xw[src] * norm[:, None]
    out = jnp.zeros((n, W.shape[1]), dtype=x.dtype).at[dst].add(msg)
    return out + b


def setup_inputs(seed: int = 0) -> dict:
    key = jax.random.key(seed)
    ks = jax.random.split(key, 10)
    B = 1024
    x = jax.random.normal(ks[0], (1, B, 1, 28, 28), dtype=jnp.float32)
    conv1_w = jax.random.normal(ks[1], (20, 1, 5, 5), dtype=jnp.float32) * 0.2
    conv1_b = jnp.zeros((20,), dtype=jnp.float32)
    conv2_w = jax.random.normal(ks[2], (50, 20, 5, 5), dtype=jnp.float32) * 0.045
    conv2_b = jnp.zeros((50,), dtype=jnp.float32)
    fc_w = jax.random.normal(ks[3], (800, 500), dtype=jnp.float32) * 0.035
    fc_b = jnp.zeros((500,), dtype=jnp.float32)
    gcn_w = jax.random.normal(ks[4], (500, 3), dtype=jnp.float32) * 0.045
    gcn_b = jnp.zeros((3,), dtype=jnp.float32)
    return {'x': x, 'conv1_w': conv1_w, 'conv1_b': conv1_b, 'conv2_w': conv2_w,
            'conv2_b': conv2_b, 'fc_w': fc_w, 'fc_b': fc_b, 'gcn_w': gcn_w, 'gcn_b': gcn_b}


def reference(x, conv1_w, conv1_b, conv2_w, conv2_b, fc_w, fc_b, gcn_w, gcn_b):
    H = _features(x, conv1_w, conv1_b, conv2_w, conv2_b, fc_w, fc_b)
    edge_index = _build_edges(H)
    out = _gcn(H, edge_index, gcn_w, gcn_b)
    return jax.nn.log_softmax(out, axis=-1)

if __name__ == "__main__":
    import jax
    _d = setup_inputs()
    print(jax.jit(kernel)(*tuple(_d.values())))

</pallas_src>

<mosaic_0001>
module attributes {stable_mosaic.version = 14 : i64} {
  func.func @_conv_pool_body(%arg0: i32, %arg1: memref<4x1024x25xf32, #tpu.memory_space<vmem>>, %arg2: memref<25x20xf32, #tpu.memory_space<vmem>>, %arg3: memref<1x20xf32, #tpu.memory_space<vmem>>, %arg4: memref<1024x20xf32, #tpu.memory_space<vmem>>) attributes {dimension_semantics = [#tpu.dimension_semantics<arbitrary>], iteration_bounds = array<i64: 144>, scalar_prefetch = 0 : i64, scratch_operands = 0 : i64, tpu.core_type = #tpu.core_type<tc>, window_params = [{transform_indices = @transform_0, window_bounds = array<i64: 4, 1024, 25>}, {pipeline_mode = #tpu.pipeline_mode<synchronous>, transform_indices = @transform_1, window_bounds = array<i64: 25, 20>}, {pipeline_mode = #tpu.pipeline_mode<synchronous>, transform_indices = @transform_2, window_bounds = array<i64: 1, 20>}, {transform_indices = @transform_3, window_bounds = array<i64: 1024, 20>}]} {
    %get3A = arith.constant 0 : index
    %get3A_0 = arith.constant 0 : index
    %get3A_1 = vector.load %arg2[%get3A, %get3A_0] : memref<25x20xf32, #tpu.memory_space<vmem>>, vector<25x20xf32>
    %get3A_2 = arith.constant 0 : index
    %get3A_3 = arith.constant 0 : index
    %get3A_4 = arith.constant 0 : index
    %get3A_5 = vector.load %arg1[%get3A_2, %get3A_3, %get3A_4] : memref<4x1024x25xf32, #tpu.memory_space<vmem>>, vector<1x1024x25xf32>
    %get3A_6 = vector.shape_cast %get3A_5 : vector<1x1024x25xf32> to vector<1024x25xf32>
    %dot_general3A = arith.constant dense<0.000000e+00> : vector<1024x20xf32>
    %dot_general3A_7 = tpu.matmul %get3A_6, %get3A_1, %dot_general3A {dimension_numbers = #tpu.dot_dimension_numbers<[1], [0], [0], [1], [0, 0, 1, 1], [], []>, precision = #tpu.contract_precision<fp32>, transpose_lhs_hint = false} : vector<1024x25xf32>, vector<25x20xf32>, vector<1024x20xf32> -> vector<1024x20xf32>
    %get3A_8 = arith.constant 1 : index
    %get3A_9 = arith.constant 0 : index
    %get3A_10 = arith.constant 0 : index
    %get3A_11 = vector.load %arg1[%get3A_8, %get3A_9, %get3A_10] : memref<4x1024x25xf32, #tpu.memory_space<vmem>>, vector<1x1024x25xf32>
    %get3A_12 = vector.shape_cast %get3A_11 : vector<1x1024x25xf32> to vector<1024x25xf32>
    %dot_general3A_13 = arith.constant dense<0.000000e+00> : vector<1024x20xf32>
    %dot_general3A_14 = tpu.matmul %get3A_12, %get3A_1, %dot_general3A_13 {dimension_numbers = #tpu.dot_dimension_numbers<[1], [0], [0], [1], [0, 0, 1, 1], [], []>, precision = #tpu.contract_precision<fp32>, transpose_lhs_hint = false} : vector<1024x25xf32>, vector<25x20xf32>, vector<1024x20xf32> -> vector<1024x20xf32>
    %get3A_15 = arith.constant 2 : index
    %get3A_16 = arith.constant 0 : index
    %get3A_17 = arith.constant 0 : index
    %get3A_18 = vector.load %arg1[%get3A_15, %get3A_16, %get3A_17] : memref<4x1024x25xf32, #tpu.memory_space<vmem>>, vector<1x1024x25xf32>
    %get3A_19 = vector.shape_cast %get3A_18 : vector<1x1024x25xf32> to vector<1024x25xf32>
    %dot_general3A_20 = arith.constant dense<0.000000e+00> : vector<1024x20xf32>
    %dot_general3A_21 = tpu.matmul %get3A_19, %get3A_1, %dot_general3A_20 {dimension_numbers = #tpu.dot_dimension_numbers<[1], [0], [0], [1], [0, 0, 1, 1], [], []>, precision = #tpu.contract_precision<fp32>, transpose_lhs_hint = false} : vector<1024x25xf32>, vector<25x20xf32>, vector<1024x20xf32> -> vector<1024x20xf32>
    %get3A_22 = arith.constant 3 : index
    %get3A_23 = arith.constant 0 : index
    %get3A_24 = arith.constant 0 : index
    %get3A_25 = vector.load %arg1[%get3A_22, %get3A_23, %get3A_24] : memref<4x1024x25xf32, #tpu.memory_space<vmem>>, vector<1x1024x25xf32>
    %get3A_26 = vector.shape_cast %get3A_25 : vector<1x1024x25xf32> to vector<1024x25xf32>
    %dot_general3A_27 = arith.constant dense<0.000000e+00> : vector<1024x20xf32>
    %dot_general3A_28 = tpu.matmul %get3A_26, %get3A_1, %dot_general3A_27 {dimension_numbers = #tpu.dot_dimension_numbers<[1], [0], [0], [1], [0, 0, 1, 1], [], []>, precision = #tpu.contract_precision<fp32>, transpose_lhs_hint = false} : vector<1024x25xf32>, vector<25x20xf32>, vector<1024x20xf32> -> vector<1024x20xf32>
    %max3A = arith.maximumf %dot_general3A_7, %dot_general3A_14 : vector<1024x20xf32>
    %max3A_29 = arith.maximumf %dot_general3A_21, %dot_general3A_28 : vector<1024x20xf32>
    %max3A_30 = arith.maximumf %max3A, %max3A_29 : vector<1024x20xf32>
    %get3A_31 = arith.constant 0 : index
    %get3A_32 = arith.constant 0 : index
    %get3A_33 = vector.load %arg3[%get3A_31, %get3A_32] : memref<1x20xf32, #tpu.memory_space<vmem>>, vector<1x20xf32>
    %add3A = vector.broadcast %get3A_33 : vector<1x20xf32> to vector<1024x20xf32>
    %add3A_34 = arith.addf %max3A_30, %add3A : vector<1024x20xf32>
    %max3A_35 = arith.constant 0.000000e+00 : f32
    %max3A_36 = vector.broadcast %max3A_35 : f32 to vector<1024x20xf32>
    %max3A_37 = arith.maximumf %add3A_34, %max3A_36 : vector<1024x20xf32>
    %swap3A = arith.constant 0 : index
    %swap3A_38 = arith.constant 0 : index
    %swap3A_39 = vector.load %arg4[%swap3A, %swap3A_38] : memref<1024x20xf32, #tpu.memory_space<vmem>>, vector<1024x20xf32>
    tpu.vector_store %arg4[%swap3A, %swap3A_38], %max3A_37 {strides = array<i32>} : memref<1024x20xf32, #tpu.memory_space<vmem>>, vector<1024x20xf32>,
    return
  }
  func.func @transform_0(%arg0: i32) -> (i32, i32, i32) {
    %c0_i32 = arith.constant 0 : i32
    %c0_i32_0 = arith.constant 0 : i32
    %c0_i32_1 = arith.constant 0 : i32
    return %c0_i32, %arg0, %c0_i32_0 : i32, i32, i32
  }
  func.func @transform_1(%arg0: i32) -> (i32, i32) {
    %c0_i32 = arith.constant 0 : i32
    %c0_i32_0 = arith.constant 0 : i32
    %c0_i32_1 = arith.constant 0 : i32
    return %c0_i32, %c0_i32_0 : i32, i32
  }
  func.func @transform_2(%arg0: i32) -> (i32, i32) {
    %c0_i32 = arith.constant 0 : i32
    %c0_i32_0 = arith.constant 0 : i32
    %c0_i32_1 = arith.constant 0 : i32
    return %c0_i32, %c0_i32_0 : i32, i32
  }
  func.func @transform_3(%arg0: i32) -> (i32, i32) {
    %c0_i32 = arith.constant 0 : i32
    %c0_i32_0 = arith.constant 0 : i32
    return %arg0, %c0_i32 : i32, i32
  }
}

module attributes {stable_mosaic.version = 14 : i64} {
  func.func @_conv_pool_body(%arg0: i32, %arg1: memref<4x512x500xf32, #tpu.memory_space<vmem>>, %arg2: memref<500x50xf32, #tpu.memory_space<vmem>>, %arg3: memref<1x50xf32, #tpu.memory_space<vmem>>, %arg4: memref<512x50xf32, #tpu.memory_space<vmem>>) attributes {dimension_semantics = [#tpu.dimension_semantics<arbitrary>], iteration_bounds = array<i64: 32>, scalar_prefetch = 0 : i64, scratch_operands = 0 : i64, tpu.core_type = #tpu.core_type<tc>, window_params = [{transform_indices = @transform_0, window_bounds = array<i64: 4, 512, 500>}, {pipeline_mode = #tpu.pipeline_mode<synchronous>, transform_indices = @transform_1, window_bounds = array<i64: 500, 50>}, {pipeline_mode = #tpu.pipeline_mode<synchronous>, transform_indices = @transform_2, window_bounds = array<i64: 1, 50>}, {transform_indices = @transform_3, window_bounds = array<i64: 512, 50>}]} {
    %get3A = arith.constant 0 : index
    %get3A_0 = arith.constant 0 : index
    %get3A_1 = vector.load %arg2[%get3A, %get3A_0] : memref<500x50xf32, #tpu.memory_space<vmem>>, vector<500x50xf32>
    %get3A_2 = arith.constant 0 : index
    %get3A_3 = arith.constant 0 : index
    %get3A_4 = arith.constant 0 : index
    %get3A_5 = vector.load %arg1[%get3A_2, %get3A_3, %get3A_4] : memref<4x512x500xf32, #tpu.memory_space<vmem>>, vector<1x512x500xf32>
    %get3A_6 = vector.shape_cast %get3A_5 : vector<1x512x500xf32> to vector<512x500xf32>
    %dot_general3A = arith.constant dense<0.000000e+00> : vector<512x50xf32>
    %dot_general3A_7 = tpu.matmul %get3A_6, %get3A_1, %dot_general3A {dimension_numbers = #tpu.dot_dimension_numbers<[1], [0], [0], [1], [0, 0, 1, 1], [], []>, precision = #tpu.contract_precision<fp32>, transpose_lhs_hint = false} : vector<512x500xf32>, vector<500x50xf32>, vector<512x50xf32> -> vector<512x50xf32>
    %get3A_8 = arith.constant 1 : index
    %get3A_9 = arith.constant 0 : index
    %get3A_10 = arith.constant 0 : index
    %get3A_11 = vector.load %arg1[%get3A_8, %get3A_9, %get3A_10] : memref<4x512x500xf32, #tpu.memory_space<vmem>>, vector<1x512x500xf32>
    %get3A_12 = vector.shape_cast %get3A_11 : vector<1x512x500xf32> to vector<512x500xf32>
    %dot_general3A_13 = arith.constant dense<0.000000e+00> : vector<512x50xf32>
    %dot_general3A_14 = tpu.matmul %get3A_12, %get3A_1, %dot_general3A_13 {dimension_numbers = #tpu.dot_dimension_numbers<[1], [0], [0], [1], [0, 0, 1, 1], [], []>, precision = #tpu.contract_precision<fp32>, transpose_lhs_hint = false} : vector<512x500xf32>, vector<500x50xf32>, vector<512x50xf32> -> vector<512x50xf32>
    %get3A_15 = arith.constant 2 : index
    %get3A_16 = arith.constant 0 : index
    %get3A_17 = arith.constant 0 : index
    %get3A_18 = vector.load %arg1[%get3A_15, %get3A_16, %get3A_17] : memref<4x512x500xf32, #tpu.memory_space<vmem>>, vector<1x512x500xf32>
    %get3A_19 = vector.shape_cast %get3A_18 : vector<1x512x500xf32> to vector<512x500xf32>
    %dot_general3A_20 = arith.constant dense<0.000000e+00> : vector<512x50xf32>
    %dot_general3A_21 = tpu.matmul %get3A_19, %get3A_1, %dot_general3A_20 {dimension_numbers = #tpu.dot_dimension_numbers<[1], [0], [0], [1], [0, 0, 1, 1], [], []>, precision = #tpu.contract_precision<fp32>, transpose_lhs_hint = false} : vector<512x500xf32>, vector<500x50xf32>, vector<512x50xf32> -> vector<512x50xf32>
    %get3A_22 = arith.constant 3 : index
    %get3A_23 = arith.constant 0 : index
    %get3A_24 = arith.constant 0 : index
    %get3A_25 = vector.load %arg1[%get3A_22, %get3A_23, %get3A_24] : memref<4x512x500xf32, #tpu.memory_space<vmem>>, vector<1x512x500xf32>
    %get3A_26 = vector.shape_cast %get3A_25 : vector<1x512x500xf32> to vector<512x500xf32>
    %dot_general3A_27 = arith.constant dense<0.000000e+00> : vector<512x50xf32>
    %dot_general3A_28 = tpu.matmul %get3A_26, %get3A_1, %dot_general3A_27 {dimension_numbers = #tpu.dot_dimension_numbers<[1], [0], [0], [1], [0, 0, 1, 1], [], []>, precision = #tpu.contract_precision<fp32>, transpose_lhs_hint = false} : vector<512x500xf32>, vector<500x50xf32>, vector<512x50xf32> -> vector<512x50xf32>
    %max3A = arith.maximumf %dot_general3A_7, %dot_general3A_14 : vector<512x50xf32>
    %max3A_29 = arith.maximumf %dot_general3A_21, %dot_general3A_28 : vector<512x50xf32>
    %max3A_30 = arith.maximumf %max3A, %max3A_29 : vector<512x50xf32>
    %get3A_31 = arith.constant 0 : index
    %get3A_32 = arith.constant 0 : index
    %get3A_33 = vector.load %arg3[%get3A_31, %get3A_32] : memref<1x50xf32, #tpu.memory_space<vmem>>, vector<1x50xf32>
    %add3A = vector.broadcast %get3A_33 : vector<1x50xf32> to vector<512x50xf32>
    %add3A_34 = arith.addf %max3A_30, %add3A : vector<512x50xf32>
    %max3A_35 = arith.constant 0.000000e+00 : f32
    %max3A_36 = vector.broadcast %max3A_35 : f32 to vector<512x50xf32>
    %max3A_37 = arith.maximumf %add3A_34, %max3A_36 : vector<512x50xf32>
    %swap3A = arith.constant 0 : index
    %swap3A_38 = arith.constant 0 : index
    %swap3A_39 = vector.load %arg4[%swap3A, %swap3A_38] : memref<512x50xf32, #tpu.memory_space<vmem>>, vector<512x50xf32>
    tpu.vector_store %arg4[%swap3A, %swap3A_38], %max3A_37 {strides = array<i32>} : memref<512x50xf32, #tpu.memory_space<vmem>>, vector<512x50xf32>,
    return
  }
  func.func @transform_0(%arg0: i32) -> (i32, i32, i32) {
    %c0_i32 = arith.constant 0 : i32
    %c0_i32_0 = arith.constant 0 : i32
    %c0_i32_1 = arith.constant 0 : i32
    return %c0_i32, %arg0, %c0_i32_0 : i32, i32, i32
  }
  func.func @transform_1(%arg0: i32) -> (i32, i32) {
    %c0_i32 = arith.constant 0 : i32
    %c0_i32_0 = arith.constant 0 : i32
    %c0_i32_1 = arith.constant 0 : i32
    return %c0_i32, %c0_i32_0 : i32, i32
  }
  func.func @transform_2(%arg0: i32) -> (i32, i32) {
    %c0_i32 = arith.constant 0 : i32
    %c0_i32_0 = arith.constant 0 : i32
    %c0_i32_1 = arith.constant 0 : i32
    return %c0_i32, %c0_i32_0 : i32, i32
  }
  func.func @transform_3(%arg0: i32) -> (i32, i32) {
    %c0_i32 = arith.constant 0 : i32
    %c0_i32_0 = arith.constant 0 : i32
    return %arg0, %c0_i32 : i32, i32
  }
}

module attributes {stable_mosaic.version = 14 : i64} {
  func.func @_mega_body(%arg0: memref<1024x800xf32, #tpu.memory_space<vmem>>, %arg1: memref<800x500xf32, #tpu.memory_space<vmem>>, %arg2: memref<1x500xf32, #tpu.memory_space<vmem>>, %arg3: memref<500x3xf32, #tpu.memory_space<vmem>>, %arg4: memref<1x3xf32, #tpu.memory_space<vmem>>, %arg5: memref<1024x3xf32, #tpu.memory_space<vmem>>) attributes {dimension_semantics = [], scalar_prefetch = 0 : i64, scratch_operands = 0 : i64, tpu.core_type = #tpu.core_type<tc>} {
    %get3A = arith.constant 0 : index
    %get3A_0 = arith.constant 0 : index
    %get3A_1 = vector.load %arg0[%get3A, %get3A_0] : memref<1024x800xf32, #tpu.memory_space<vmem>>, vector<1024x800xf32>
    %get3A_2 = arith.constant 0 : index
    %get3A_3 = arith.constant 0 : index
    %get3A_4 = vector.load %arg1[%get3A_2, %get3A_3] : memref<800x500xf32, #tpu.memory_space<vmem>>, vector<800x500xf32>
    %dot_general3A = arith.constant dense<0.000000e+00> : vector<1024x500xf32>
    %dot_general3A_5 = tpu.matmul %get3A_1, %get3A_4, %dot_general3A {dimension_numbers = #tpu.dot_dimension_numbers<[1], [0], [0], [1], [0, 0, 1, 1], [], []>, precision = #tpu.contract_precision<fp32>, transpose_lhs_hint = false} : vector<1024x800xf32>, vector<800x500xf32>, vector<1024x500xf32> -> vector<1024x500xf32>
    %get3A_6 = arith.constant 0 : index
    %get3A_7 = arith.constant 0 : index
    %get3A_8 = vector.load %arg2[%get3A_6, %get3A_7] : memref<1x500xf32, #tpu.memory_space<vmem>>, vector<1x500xf32>
    %add3A = vector.broadcast %get3A_8 : vector<1x500xf32> to vector<1024x500xf32>
    %add3A_9 = arith.addf %dot_general3A_5, %add3A : vector<1024x500xf32>
    %max3A = arith.constant 0.000000e+00 : f32
    %max3A_10 = vector.broadcast %max3A : f32 to vector<1024x500xf32>
    %max3A_11 = arith.maximumf %add3A_9, %max3A_10 : vector<1024x500xf32>
    %dot_general3A_12 = arith.constant dense<0.000000e+00> : vector<1024x1024xf32>
    %dot_general3A_13 = tpu.matmul %max3A_11, %max3A_11, %dot_general3A_12 {dimension_numbers = #tpu.dot_dimension_numbers<[1], [1], [0], [0], [0, 0, 1, 0], [], []>, precision = #tpu.contract_precision<fp32>, transpose_lhs_hint = false} : vector<1024x500xf32>, vector<1024x500xf32>, vector<1024x1024xf32> -> vector<1024x1024xf32>
    %iota3A = tpu.iota {dimensions = array<i32: 0>} : vector<1024x1024xi32>
    %iota3A_14 = tpu.iota {dimensions = array<i32: 1>} : vector<1024x1024xi32>
    %eq3A = arith.cmpi eq, %iota3A, %iota3A_14 : vector<1024x1024xi32>
    %jit3A = arith.constant 0.000000e+00 : f32
    %broadcast_in_dim3A = vector.broadcast %jit3A : f32 to vector<1024x1024xf32>
    %select_n3A = arith.select %eq3A, %dot_general3A_13, %broadcast_in_dim3A : vector<1024x1024xi1>, vector<1024x1024xf32>
    %reduce_sum3A = arith.constant dense<0.000000e+00> : vector<1024xf32>
    %reduce_sum3A_15 = vector.multi_reduction <add>, %select_n3A, %reduce_sum3A [1] : vector<1024x1024xf32> to vector<1024xf32>
    %broadcast_in_dim3A_16 = vector.shape_cast %reduce_sum3A_15 : vector<1024xf32> to vector<1024x1xf32>
    %broadcast_in_dim3A_17 = vector.shape_cast %reduce_sum3A_15 : vector<1024xf32> to vector<1x1024xf32>
    %add3A_18 = vector.broadcast %broadcast_in_dim3A_16 : vector<1024x1xf32> to vector<1024x1024xf32>
    %add3A_19 = vector.broadcast %broadcast_in_dim3A_17 : vector<1x1024xf32> to vector<1024x1024xf32>
    %add3A_20 = arith.addf %add3A_18, %add3A_19 : vector<1024x1024xf32>
    %mul3A = arith.constant 2.000000e+00 : f32
    %mul3A_21 = vector.broadcast %mul3A : f32 to vector<1024x1024xf32>
    %mul3A_22 = arith.mulf %mul3A_21, %dot_general3A_13 : vector<1024x1024xf32>
    %sub3A = arith.subf %add3A_20, %mul3A_22 : vector<1024x1024xf32>
    %max3A_23 = arith.constant 0.000000e+00 : f32
    %max3A_24 = vector.broadcast %max3A_23 : f32 to vector<1024x1024xf32>
    %max3A_25 = arith.maximumf %sub3A, %max3A_24 : vector<1024x1024xf32>
    %sqrt3A = math.sqrt %max3A_25 : vector<1024x1024xf32>
    %jit3A_26 = arith.constant 0x7F800000 : f32
    %broadcast_in_dim3A_27 = vector.broadcast %jit3A_26 : f32 to vector<1024x1024xf32>
    %select_n3A_28 = arith.select %eq3A, %broadcast_in_dim3A_27, %sqrt3A : vector<1024x1024xi1>, vector<1024x1024xf32>
    %scan3A = arith.constant 0 : i32
    %scan3A_29 = arith.constant 4096 : i32
    %scan3A_30 = arith.constant 0 : i32
    %scan3A_31 = arith.constant 13 : i32
    %scan3A_32 = arith.addi %scan3A_30, %scan3A_31 : i32
    %scan3A_33 = arith.constant 1 : i32
    %scan3A_34:2 = scf.for %scan3A_81 = %scan3A_30 to %scan3A_32 step %scan3A_33 iter_args(%scan3A_82 = %scan3A, %scan3A_83 = %scan3A_29) -> (i32, i32)  : i32 {
      %add3A_84 = arith.addi %scan3A_82, %scan3A_83 : i32
      %jit3A_85 = arith.constant 2 : i32
      %div3A = arith.divsi %add3A_84, %jit3A_85 : i32
      %sign3A = arith.constant 0 : i32
      %sign3A_86 = arith.cmpi sgt, %add3A_84, %sign3A : i32
      %sign3A_87 = arith.extui %sign3A_86 : i1 to i32
      %sign3A_88 = arith.constant 0 : i32
      %sign3A_89 = arith.cmpi slt, %add3A_84, %sign3A_88 : i32
      %sign3A_90 = arith.extui %sign3A_89 : i1 to i32
      %sign3A_91 = arith.subi %sign3A_87, %sign3A_90 : i32
      %sign3A_92 = arith.constant 0 : i32
      %sign3A_93 = arith.cmpi sgt, %jit3A_85, %sign3A_92 : i32
      %sign3A_94 = arith.extui %sign3A_93 : i1 to i32
      %sign3A_95 = arith.constant 0 : i32
      %sign3A_96 = arith.cmpi slt, %jit3A_85, %sign3A_95 : i32
      %sign3A_97 = arith.extui %sign3A_96 : i1 to i32
      %sign3A_98 = arith.subi %sign3A_94, %sign3A_97 : i32
      %ne3A = arith.cmpi ne, %sign3A_91, %sign3A_98 : i32
      %rem3A = arith.remsi %add3A_84, %jit3A_85 : i32
      %ne3A_99 = arith.constant 0 : i32
      %ne3A_100 = arith.cmpi ne, %rem3A, %ne3A_99 : i32
      %and3A = arith.andi %ne3A, %ne3A_100 : i1
      %sub3A_101 = arith.constant 1 : i32
      %sub3A_102 = arith.subi %div3A, %sub3A_101 : i32
      %select_n3A_103 = arith.select %and3A, %sub3A_102, %div3A : i32
      %convert_element_type3A_104 = arith.sitofp %select_n3A_103 : i32 to f32
      %mul3A_105 = arith.constant 1.000000e-01 : f32
      %mul3A_106 = arith.mulf %mul3A_105, %convert_element_type3A_104 : f32
      %add3A_107 = arith.constant 1.700000e+00 : f32
      %add3A_108 = arith.addf %add3A_107, %mul3A_106 : f32
      %lt3A_109 = vector.broadcast %add3A_108 : f32 to vector<1024x1024xf32>
      %lt3A_110 = arith.cmpf olt, %select_n3A_28, %lt3A_109 : vector<1024x1024xf32>
      %convert_element_type3A_111 = arith.extui %lt3A_110 : vector<1024x1024xi1> to vector<1024x1024xi32>
      %reduce_sum3A_112 = vector.shape_cast %convert_element_type3A_111 : vector<1024x1024xi32> to vector<1x1024x1024xi32>
      %reduce_sum3A_113 = arith.constant dense<0> : vector<1xi32>
      %reduce_sum3A_114 = vector.multi_reduction <add>, %reduce_sum3A_112, %reduce_sum3A_113 [1, 2] : vector<1x1024x1024xi32> to vector<1xi32>
      %reduce_sum3A_115 = vector.shape_cast %reduce_sum3A_114 : vector<1xi32> to vector<1x1x1xi32>
      %reduce_sum3A_116 = vector.extract %reduce_sum3A_115[0, 0, 0] : i32 from vector<1x1x1xi32>
      %ge3A = arith.constant 308 : i32
      %ge3A_117 = arith.cmpi sge, %reduce_sum3A_116, %ge3A : i32
      %add3A_118 = arith.constant 1 : i32
      %add3A_119 = arith.addi %select_n3A_103, %add3A_118 : i32
      %select_n3A_120 = arith.select %ge3A_117, %scan3A_82, %add3A_119 : i32
      %select_n3A_121 = arith.select %ge3A_117, %select_n3A_103, %scan3A_83 : i32
      scf.yield %select_n3A_120, %select_n3A_121 : i32, i32
    }
    %convert_element_type3A = arith.sitofp %scan3A_34#1 : i32 to f32
    %mul3A_35 = arith.constant 1.000000e-01 : f32
    %mul3A_36 = arith.mulf %mul3A_35, %convert_element_type3A : f32
    %add3A_37 = arith.constant 1.700000e+00 : f32
    %add3A_38 = arith.addf %add3A_37, %mul3A_36 : f32
    %lt3A = vector.broadcast %add3A_38 : f32 to vector<1024x1024xf32>
    %lt3A_39 = arith.cmpf olt, %select_n3A_28, %lt3A : vector<1024x1024xf32>
    %jit3A_40 = arith.constant 1.000000e+00 : f32
    %jit3A_41 = arith.constant 0.000000e+00 : f32
    %broadcast_in_dim3A_42 = vector.broadcast %jit3A_40 : f32 to vector<1024x1024xf32>
    %broadcast_in_dim3A_43 = vector.broadcast %jit3A_41 : f32 to vector<1024x1024xf32>
    %select_n3A_44 = arith.select %lt3A_39, %broadcast_in_dim3A_42, %broadcast_in_dim3A_43 : vector<1024x1024xi1>, vector<1024x1024xf32>
    %jit3A_45 = arith.constant 1.000000e+00 : f32
    %broadcast_in_dim3A_46 = vector.broadcast %jit3A_45 : f32 to vector<1024x1024xf32>
    %select_n3A_47 = arith.select %eq3A, %broadcast_in_dim3A_46, %select_n3A_44 : vector<1024x1024xi1>, vector<1024x1024xf32>
    %reduce_sum3A_48 = arith.constant dense<0.000000e+00> : vector<1024xf32>
    %reduce_sum3A_49 = vector.multi_reduction <add>, %select_n3A_47, %reduce_sum3A_48 [0] : vector<1024x1024xf32> to vector<1024xf32>
    %rsqrt3A = math.rsqrt %reduce_sum3A_49 : vector<1024xf32>
    %get3A_50 = arith.constant 0 : index
    %get3A_51 = arith.constant 0 : index
    %get3A_52 = vector.load %arg3[%get3A_50, %get3A_51] : memref<500x3xf32, #tpu.memory_space<vmem>>, vector<500x3xf32>
    %dot_general3A_53 = arith.constant dense<0.000000e+00> : vector<1024x3xf32>
    %dot_general3A_54 = tpu.matmul %max3A_11, %get3A_52, %dot_general3A_53 {dimension_numbers = #tpu.dot_dimension_numbers<[1], [0], [0], [1], [0, 0, 1, 1], [], []>, precision = #tpu.contract_precision<fp32>, transpose_lhs_hint = false} : vector<1024x500xf32>, vector<500x3xf32>, vector<1024x3xf32> -> vector<1024x3xf32>
    %broadcast_in_dim3A_55 = vector.shape_cast %rsqrt3A : vector<1024xf32> to vector<1024x1xf32>
    %mul3A_56 = vector.broadcast %broadcast_in_dim3A_55 : vector<1024x1xf32> to vector<1024x3xf32>
    %mul3A_57 = arith.mulf %dot_general3A_54, %mul3A_56 : vector<1024x3xf32>
    %dot_general3A_58 = arith.constant dense<0.000000e+00> : vector<1024x3xf32>
    %dot_general3A_59 = tpu.matmul %select_n3A_47, %mul3A_57, %dot_general3A_58 {dimension_numbers = #tpu.dot_dimension_numbers<[1], [0], [0], [1], [0, 0, 1, 1], [], []>, precision = #tpu.contract_precision<fp32>, transpose_lhs_hint = false} : vector<1024x1024xf32>, vector<1024x3xf32>, vector<1024x3xf32> -> vector<1024x3xf32>
    %broadcast_in_dim3A_60 = vector.shape_cast %rsqrt3A : vector<1024xf32> to vector<1024x1xf32>
    %mul3A_61 = vector.broadcast %broadcast_in_dim3A_60 : vector<1024x1xf32> to vector<1024x3xf32>
    %mul3A_62 = arith.mulf %dot_general3A_59, %mul3A_61 : vector<1024x3xf32>
    %get3A_63 = arith.constant 0 : index
    %get3A_64 = arith.constant 0 : index
    %get3A_65 = vector.load %arg4[%get3A_63, %get3A_64] : memref<1x3xf32, #tpu.memory_space<vmem>>, vector<1x3xf32>
    %add3A_66 = vector.broadcast %get3A_65 : vector<1x3xf32> to vector<1024x3xf32>
    %add3A_67 = arith.addf %mul3A_62, %add3A_66 : vector<1024x3xf32>
    %reduce_max3A = arith.constant dense<0xFF800000> : vector<1024xf32>
    %reduce_max3A_68 = vector.multi_reduction <maximumf>, %add3A_67, %reduce_max3A [1] : vector<1024x3xf32> to vector<1024xf32>
    %broadcast_in_dim3A_69 = vector.shape_cast %reduce_max3A_68 : vector<1024xf32> to vector<1024x1xf32>
    %sub3A_70 = vector.broadcast %broadcast_in_dim3A_69 : vector<1024x1xf32> to vector<1024x3xf32>
    %sub3A_71 = arith.subf %add3A_67, %sub3A_70 : vector<1024x3xf32>
    %exp3A = math.exp %sub3A_71 : vector<1024x3xf32>
    %reduce_sum3A_72 = arith.constant dense<0.000000e+00> : vector<1024xf32>
    %reduce_sum3A_73 = vector.multi_reduction <add>, %exp3A, %reduce_sum3A_72 [1] : vector<1024x3xf32> to vector<1024xf32>
    %broadcast_in_dim3A_74 = vector.shape_cast %reduce_sum3A_73 : vector<1024xf32> to vector<1024x1xf32>
    %log3A = math.log %broadcast_in_dim3A_74 : vector<1024x1xf32>
    %sub3A_75 = vector.broadcast %broadcast_in_dim3A_69 : vector<1024x1xf32> to vector<1024x3xf32>
    %sub3A_76 = arith.subf %add3A_67, %sub3A_75 : vector<1024x3xf32>
    %sub3A_77 = vector.broadcast %log3A : vector<1024x1xf32> to vector<1024x3xf32>
    %sub3A_78 = arith.subf %sub3A_76, %sub3A_77 : vector<1024x3xf32>
    %swap3A = arith.constant 0 : index
    %swap3A_79 = arith.constant 0 : index
    %swap3A_80 = vector.load %arg5[%swap3A, %swap3A_79] : memref<1024x3xf32, #tpu.memory_space<vmem>>, vector<1024x3xf32>
    tpu.vector_store %arg5[%swap3A, %swap3A_79], %sub3A_78 {strides = array<i32>} : memref<1024x3xf32, #tpu.memory_space<vmem>>, vector<1024x3xf32>,
    return
  }
}

</mosaic_0001>

<sc_bundles>
// kernel: sparse-core-data-format-call.1.cloned.1.call-start
scs
called_computation.1_lowered:
.L_overlay_start_0:
0x0: {  	s1 =	sld [smem:$0x3FD9]  }
0x1: {  	s2 =	sld [smem:$0x3FFE];
	_ =	sdelay $0x1  }
0x2: {  	s3 =	srdreg.scid  }
0x3: {  	s0 =	sand.u32 $0x1, s3  }
0x4: {  	s17 =	sshll.u32 s0, $0xA;
	s1 =	sadd.s32 s2, s1  }
0x5: {  	s1 =	sadd.s32 s1, s17  }
0x6: {  	[smem:$0x3FBF] =	sst s1  }
0x7: {  	_ = 	snop  }
0x8: {  	(tm) =	ssettm $0x1  }
0x9: {  	s18 =	sld [smem:$0x3FFB];
	_ =	sdelay $0x3  }
0xa: {  	_ =	strace s18  }
0xb: {  	s1 =	sld [smem:$0x3FFC];
	_ =	sdelay $0x3  }
0xc: {  	_ =	strace s1  }
0xd: {  	s1 =	sld [smem:$0x3FFD];
	_ =	sdelay $0x3  }
0xe: {  	_ =	strace s1  }
0xf: {  	_ =	strace $0x8FFFFFFF  }
0x10: {  	s19 =	sld [smem:$0x3FDB];
	_ =	sdelay $0x1  }
0x11: {  	s20 =	simm.s32 $_scs_section_size  }
0x12: {  	s4 =	simm.s32 $_size__tile_overlayer_lowered;
	s5 =	simm.s32 $_tile_overlayer_lowered  }
0x13: {  	s23 =	simm.s32 $0x1BFF;
	s22 =	sshll.u32 s5, $0x1;
	s1 =	sadd.s32 s20, s19  }
0x14: {  	s6 =	simm.s32 $0x0;
	s21 =	sshll.u32 s4, $0x1;
	s4 =	sadd.s32 s22, s1  }
0x15: {  	[timem:s6], [sflag:s23] =	dma.local [hbm:s4], s21  }
0x16: {  	_ =	swait.ge [sflag:s23], s21  }
0x17: {  	s2 =	ssub.s32 $0x0, s21;
	[sflag:s23] =	ssyncset.done $0x0  }
0x18: {  	[sflag:s23] =	ssyncadd.s32 s2;
	_ =	sdelay $0x1  }
0x19: {  	s24 =	simm.s32 $0x1B8B  }
0x1a: {  	_ =	swait.ge [sflag:s24], $0x1  }
0x1b: {  	[sflag:s24] =	ssyncset.done $0x0  }
0x1c: {  	s26 =	simm.s32 $0x1B8E;
	s25 =	sld [smem:$0x3FFE];
	[sflag:s24] =	ssyncadd.s32 $0xFFFFFFFF  }
0x1d: {  	s27 =	simm.s32 $execute0_lowered;
	[smem:$0x3FD2] =	sst s26  }
0x1e: {  	s4 =	sshll.u32 s27, $0x1;
	_ =	strace $0x80000049;
	[dreg:$0x1] =	wrdreg $0xFFFFFFFF  }
0x1f: {  	s28 =	simm.s32 $_size_execute0_lowered;
	s1 =	sadd.s32 s1, s4;
	[dreg:$0x0] =	wrdreg $0x0  }
0x20: {  	s4 =	sshll.u32 s28, $0x1;
	[dreg:$0x2] =	wrdreg s1  }
0x21: {  	[dreg:$0x3] =	wrdreg s4  }
0x22: {  	[dreg:$0x4] =	wrdreg $0xC0  }
0x23: {  	_ =	task [dreg:s6], $0x5FFFF  }
0x24: {  	[dreg:$0x1] =	wrdreg $0xFFFFFFFF  }
0x25: {  	[dreg:$0x0] =	wrdreg $0x60  }
0x26: {  	[dreg:$0x2] =	wrdreg s25  }
0x27: {  	[dreg:$0x3] =	wrdreg $0x9  }
0x28: {  	_ =	task.clear_ibuf [dreg:s6], $0x4FFFF;
	_ =	strace $0x90000049  }
0x29: {  	s29 =	simm.s32 $0x9;
	_ =	strace $0x8000004B  }
0x2a: {  	_ =	swait.ge [sflag:s29], $0x1  }
0x2b: {  	[sflag:s29] =	ssyncadd.s32 $0xFFFFFFFF  }
0x2c: {  	_ =	strace $0x9000004B  }
0x2d: {  	_ =	sfence  }
0x2e: {  	s30 =	sld [smem:$0x0];
	_ =	sdelay $0x2  }
0x2f: {  	s31 =	sshll.u32 s3, $0xD;
	s3 =	sshrl.u32 s3, $0x2  }
0x30: {  	s2 =	sand.u32 $0x4000, s31;
	s1 =	sadd.s32 s3, s30  }
0x31: {  	s0 =	sor.u32 s2, s0;
	s1 =	sshll.u32 s1, $0x11  }
0x32: {  	s0 =	sor.u32 s1, s0  }
0x33: {  	s0 =	sadd.s32 $0x8F2B, s0  }
0x34: {  	[sflag:s0] =	ssyncadd.remote.s32 $0x1  }
0x35: {  	_ =	sfence.sel $0xFFFF  }
0x36: {  	[dreg:$0x0] =	wrdreg $0xFFFFFFFF;
	(pc) =	sbr.abs _section_cstart, $3  }
0x37: {  	[dreg:$0x1] =	wrdreg $0xFFFFFFFF  }
0x38: {  	_ =	task.clear_ibuf [dreg:s6], $0x2FFFF;
	_ =	strace $0x9FFFFFFF  }
0x39: {  	(tm) =	ssettm $0x7FFFFFFF  }
tec
execute0_lowered:
.L_overlay_start_1:
0x0: {  	(tag) =	ssettag $0x1  }
0x1: {  	s4 =	rddreg [dreg:$0x0];
	s1 =	stileid.u32  }
0x2: {  	_ =	strace $0x8000004A;
	s5 =	srdreg.scid;
	s31 =	simm.s32 $0x2  }
0x3: {  	s19 =	simm.s32 $0x0;
	s9 =	simm.s32 $0x2000;
	s21 =	simm.s32 $0x0  }
0x4: {  	s22 =	simm.s32 $0x0;
	s20 =	simm.s32 $0x0;
	s10 =	simm.s32 $0x0  }
0x5: {  	s11 =	simm.s32 $0x0;
	s12 =	simm.s32 $0x0;
	s13 =	simm.s32 $0x0  }
0x6: {  	s14 =	simm.s32 $0x0;
	s15 =	simm.s32 $0x0;
	s2 =	sshll.u32 s1, $0x7  }
0x7: {  	s18 =	simm.s32 $0x0;
	s5 =	sshll.u32 s5, $0x4;
	s2 =	sand.u32 $0x380, s2  }
0x8: {  	s3 =	sadd.s32 $0x1C42600, s4;
	s5 =	sand.u32 $0x10, s5;
	s6 =	ssub.s32 $0x400, s2  }
0x9: {  	s4 =	sadd.s32 $0x2600, s4;
	s5 =	sor.u32 s1, s5;
	s7 =	sand.u32 $0x380, s6  }
.Ltmp0:
0xa: {  	p0 =	sne.s32 s7, $0x0;
	s7 =	simm.s32 $0x1;
	(pc) =	sbr.rel .LBB1_1-.Ltmp0, $4  }
0xb: {  	s17 =	smov.u32 s2;
	s8 =	sshrl.u32 s6, $0xA;
	s7 =	simm.s32 @!p0 $0x0  }
0xc: {  	s5 =	sshrl.u32 s5, $0x3;
	s6 =	simm.s32 $0x1;
	s7 =	sadd.s32 s7, s8  }
0xd: {  	[sflag:s6] =	ssyncpa.u1 $0x0;
	s16 =	smov.u32 s5;
	s7 =	sshll.u32 s7, $0x6  }
0xe: {  	[sflag:s31] =	ssyncpa.u1 $0x0;
	p0 =	por $0x0, $0x0;
	s8 =	sor.u32 $0x1, s7  }
.LBB1_4:
0xf: {  	s27 =	sshra.s32 s27, $0x2  }
0x10: {  	p1 =	sgt.s32 s12, $0x7;
	s28 =	smov.u32 s12;
	s29 =	sshra.s32 s12, $0x1F  }
0x11: {  	s31 =	sshll.u32 s10, $0xA;
	s30 =	sshll.u32 s13, $0x3;
	p2 =	sgt.s32 s11, $0x7  }
0x12: {  	s26 =	sadd.s32 s27, s26;
	s28 =	simm.s32 @!p1 $0x7;
	s0 =	sand.u32 s29, s12  }
0x13: {  	s29 =	smov.u32 s11;
	s27 =	ssub.s32 s28, s0;
	s28 =	sand.u32 $0xFFFFE000, s31  }
0x14: {  	s0 =	sand.u32 $0xFFFFFC00, s30;
	s29 =	simm.s32 @!p2 $0x7;
	p2 =	sgt.s32 s13, $0x380  }
0x15: {  	s31 =	sadd.s32 $0xFFFFFFF9, s27;
	s28 =	sadd.s32 s0, s28;
	s0 =	sshra.s32 s11, $0x1F  }
0x16: {  	s27 =	ssub.s32 $0x8, s27;
	p1 =	sgt.s32 s31, $0x0;
	s30 =	sand.u32 s0, s11  }
0x17: {  	s31 =	smov.u32 s13;
	s0 =	sshra.s32 s13, $0x1F;
	s29 =	ssub.s32 s29, s30  }
0x18: {  	s31 =	simm.s32 @!p2 $0x380;
	s0 =	sand.u32 s0, s13;
	s27 =	simm.s32 @p1 $0x0  }
0x19: {  	p2 =	sgt.s32 s10, $0x178;
	s30 =	sadd.s32 $0xFFFFFFF9, s29;
	s0 =	ssub.s32 s31, s0  }
0x1a: {  	p1 =	sgt.s32 s30, $0x0;
	s30 =	smov.u32 s10;
	s31 =	sadd.s32 $0xFFFFFC80, s0  }
0x1b: {  	v5 =	vld [tilespmem:s24+$0xFFFFFFD0];
	[tilespmem:s25+$0x2040 ss:$0x81] =	vst.msk $0xffff, v4;
	s30 =	simm.s32 @!p2 $0x178;
	p2 =	sgt.s32 s31, $0x7F;
	s31 =	sshra.s32 s10, $0x1F  }
0x1c: {  	v58 =	vld [tilespmem:s24+$0xFFFFFFE0];
	[tilespmem:s25+$0x2850 ss:$0x81] =	vst.msk $0xffff, v3;
	s28 =	sshrl.u32 s28, $0xA;
	s0 =	ssub.s32 $0x400, s0;
	s31 =	sand.u32 s31, s10  }
0x1d: {  	v59 =	vld [tilespmem:s24+$0xFFFFFFF0];
	[tilespmem:s25+$0x3060 ss:$0x81] =	vst.msk $0xffff, v2;
	s0 =	simm.s32 @p2 $0x0;
	s30 =	ssub.s32 s30, s31;
	s31 =	smulhi.u32 $0x820821, s28  }
0x1e: {  	v60 =	vld [tilespmem:s24+$0x0];
	[tilespmem:s25+$0x0 ss:$0x81] =	vst.msk $0xffff, v0;
	s25 =	sand.u32 $0x78, s13;
	s29 =	ssub.s32 $0x8, s29;
	s0 =	smul.u32 s0, s27  }
0x1f: {  	v61 =	vld [tilespmem:s24+$0x10];
	[tilespmem:s26+$0x3870 ss:$0x81] =	vst.msk $0xffff, v1;
	s29 =	simm.s32 @p1 $0x0;
	s27 =	sshll.u32 s10, $0x7;
	s31 =	smul.u32 $0x1F8, s31  }
0x20: {  	v62 =	vld [tilespmem:s24+$0x20];
	[tilespmem:s26+$0x810 ss:$0x81] =	vst.msk $0xffff, v5;
	s27 =	sand.u32 $0x380, s27;
	s0 =	smul.u32 s29, s0;
	s29 =	sadd.s32 $0xFFFFFE88, s30  }
0x21: {  	v63 =	vld [tilespmem:s24+$0xFFFFFFC0];
	[tilespmem:s26+$0x1020 ss:$0x81] =	vst.msk $0xffff, v58;
	s25 =	sor.u32 s25, s27;
	p1 =	sgt.s32 s29, $0x7F;
	s29 =	smul.u32 $0x7E000, s12  }
0x22: {  	[tilespmem:s26+$0x1830 ss:$0x81] =	vst.msk $0xffff, v59;
	s24 =	ssub.s32 $0x1F8, s30;
	s30 =	smul.u32 $0xFC00, s11;
	s25 =	sshrl.u32 s25, $0x3  }
0x23: {  	[tilespmem:s26+$0x2040 ss:$0x81] =	vst.msk $0xffff, v60;
	s24 =	simm.s32 @p1 $0x0;
	s28 =	ssub.s32 s28, s31;
	s29 =	sadd.s32 s4, s29  }
0x24: {  	[tilespmem:s26+$0x2850 ss:$0x81] =	vst.msk $0xffff, v61;
	s0 =	smul.u32 s24, s0;
	s24 =	sadd.s32 s30, s29;
	s30 =	sand.u32 $0x7, s13  }
0x25: {  	[tilespmem:s26+$0x3060 ss:$0x81] =	vst.msk $0xffff, v62;
	s28 =	sshll.u32 s28, $0x7;
	s24 =	sadd.s32 s25, s24;
	s31 =	sshll.u32 s30, $0x12  }
0x26: {  	[tilespmem:s26+$0x0 ss:$0x81] =	vst.msk $0xffff, v63;
	s0 =	sand.u32 $0x3FFFFFFF, s0;
	s24 =	sadd.s32 s28, s24;
	s25 =	sor.u32 $0x400, s31  }
0x27: {  	[hbm4b:s24+s25] =	stream.strided.scatter [tilespmem:s23], [sflag:$0x2], s0, s9, s25, $0x20;
	[tilespmem:$0x10100] =	vst v63  }
.LBB1_5:
0x28: {  	p1 =	slt.u32 s18, $0x2;
	s0 =	smov.u32 s22  }
0x29: {  	s25 =	smov.u32 s16;
	s26 =	smov.u32 s17;
	p0 =	por !p0, !p0  }
0x2a: {  	p2 =	sgt.s32 @!p1 s22, $0x7;
	s23 =	sshra.s32 @!p1 s22, $0x1F;
	p3 =	sgt.s32 @!p1 s20, $0x380  }
0x2b: {  	p2 =	por !p2, p1;
	s22 =	sand.u32 @!p1 s23, s22;
	s23 =	sshra.s32 @!p1 s21, $0x1F  }
0x2c: {  	p3 =	por !p3, p1;
	s0 =	simm.s32 @p2 $0x7;
	p2 =	sgt.s32 @!p1 s21, $0x7  }
0x2d: {  	s0 =	ssub.s32 @!p1 s0, s22;
	p2 =	por !p2, p1;
	s22 =	smov.u32 s21  }
0x2e: {  	s21 =	sand.u32 @!p1 s23, s21;
	s23 =	sadd.s32 @!p1 $0xFFFFFFF9, s0;
	s22 =	simm.s32 @p2 $0x7  }
0x2f: {  	s0 =	ssub.s32 @!p1 $0x8, s0;
	p2 =	sgt.s32 @!p1 s23, $0x0;
	s21 =	ssub.s32 @!p1 s22, s21  }
0x30: {  	s23 =	sshra.s32 @!p1 s20, $0x1F;
	p2 =	por !p2, p1;
	s22 =	sadd.s32 @!p1 $0xFFFFFFF9, s21  }
0x31: {  	s21 =	ssub.s32 @!p1 $0x8, s21;
	s0 =	simm.s32 @!p2 $0x0;
	p2 =	sgt.s32 @!p1 s22, $0x0  }
0x32: {  	s22 =	smov.u32 s20;
	s20 =	sand.u32 @!p1 s23, s20;
	s23 =	sshra.s32 @!p1 s19, $0x1F  }
0x33: {  	p2 =	por !p2, p1;
	s22 =	simm.s32 @p3 $0x380;
	p3 =	sgt.s32 @!p1 s19, $0x178  }
0x34: {  	s20 =	ssub.s32 @!p1 s22, s20;
	p3 =	por !p3, p1;
	s22 =	smov.u32 s19  }
0x35: {  	s19 =	sand.u32 @!p1 s23, s19;
	s21 =	simm.s32 @!p2 $0x0;
	s23 =	sadd.s32 @!p1 $0xFFFFFC80, s20  }
0x36: {  	s22 =	simm.s32 @p3 $0x178;
	s20 =	ssub.s32 @!p1 $0x400, s20;
	p2 =	sgt.s32 @!p1 s23, $0x7F  }
0x37: {  	s19 =	ssub.s32 @!p1 s22, s19;
	s23 =	sadd.s32 $0x80, s14;
	p2 =	por !p2, p1  }
0x38: {  	s22 =	sadd.s32 @!p1 $0xFFFFFE88, s19;
	s20 =	simm.s32 @!p2 $0x0;
	p2 =	sgt.s32 s23, $0x1F3  }
0x39: {  	p3 =	sgt.s32 @!p1 s22, $0x7F;
	s0 =	smul.u32 @!p1 s20, s0;
	s20 =	simm.s32 $0x1  }
0x3a: {  	s19 =	ssub.s32 @!p1 $0x1F8, s19;
	p3 =	por !p3, p1;
	s20 =	simm.s32 @!p2 $0x0  }
0x3b: {  	s27 =	simm.s32 @!p1 $0x2;
	s19 =	simm.s32 @!p3 $0x0;
	s24 =	sadd.s32 s20, s15  }
0x3c: {  	s0 =	smul.u32 @!p1 s21, s0;
	s20 =	sadd.s32 $0x4, s16;
	p3 =	sgt.s32 s24, $0x7  }
0x3d: {  	s22 =	smov.u32 s12;
	s23 =	simm.s32 @p2 $0x0;
	s25 =	smov.u32 @p3 s20  }
0x3e: {  	s0 =	smul.u32 @!p1 s19, s0;
	s19 =	sadd.s32 $0x400, s17;
	p2 =	sgt.s32 s25, $0x7  }
0x3f: {  	s12 =	smov.u32 s16;
	s21 =	smov.u32 s11;
	s26 =	smov.u32 @p2 s19  }
0x40: {  	s11 =	smov.u32 s15;
	s25 =	smov.u32 @p2 s5;
	p2 =	sgt.s32 s26, $0x3FF  }
0x41: {  	s24 =	simm.s32 @p3 $0x0;
	s26 =	smov.u32 @p2 s2;
	p2 =	sne.s32 s18, s8  }
.Ltmp1:
0x42: {  	s20 =	smov.u32 s13;
	s13 =	smov.u32 s17;
	(pc) =	sbr.rel @!p2 .LBB1_6-.Ltmp1, $4  }
0x43: {  	s15 =	smov.u32 s24;
	s0 =	sand.u32 @!p1 $0x3FFFFFFF, s0;
	s19 =	smov.u32 s10  }
0x44: {  	s10 =	smov.u32 s14;
	s14 =	smov.u32 s23;
	_ =	swait.ge @!p1 [sflag:s27], s0  }
0x45: {  	s0 =	ssub.s32 @!p1 $0x0, s0;
	s16 =	smov.u32 s25;
	[sflag:s27] =	ssyncset.done @!p1 $0x0  }
0x46: {  	s18 =	sadd.s32 $0x1, s18;
	[sflag:s27] =	ssyncadd.s32 @!p1 s0;
	s17 =	smov.u32 s26  }
.LBB1_1:
0x47: {  	p1 =	sge.u32 s18, s7  }
0x48: {  	s31 =	sadd.s32 $0xFFFFFFFF, s18;
	s23 =	sxor.u32 @!p1 $0xFFFFFFFF, s18;
	s24 =	sshll.u32 @!p1 s14, $0x3  }
0x49: {  	s25 =	sshll.u32 @!p1 s15, $0x7;
	s26 =	sand.u32 @!p1 $0x78, s14;
	s27 =	sshll.u32 @!p1 s17, $0xC  }
0x4a: {  	s28 =	sshll.u32 @!p1 s16, $0x9;
	s23 =	sshll.u32 @!p1 s23, $0xE;
	s25 =	sand.u32 @!p1 $0x380, s25  }
0x4b: {  	s24 =	sand.u32 @!p1 $0xC00, s24;
	s23 =	sand.u32 @!p1 $0x4000, s23;
	s25 =	sor.u32 @!p1 s26, s25  }
0x4c: {  	s26 =	sand.u32 @!p1 $0x7, s14;
	s24 =	sor.u32 @!p1 s24, s25;
	s25 =	sadd.s32 @!p1 s3, s27  }
0x4d: {  	s26 =	sshll.u32 @!p1 s26, $0x12;
	s24 =	sshrl.u32 @!p1 s24, $0x3;
	s25 =	sadd.s32 @!p1 s28, s25  }
0x4e: {  	s24 =	sadd.s32 @!p1 s24, s25;
	s25 =	sor.u32 @!p1 $0x80, s26;
	s26 =	simm.s32 @!p1 $0x8000  }
0x4f: {  	[tilespmem:s23], [sflag:$0x1] =	stream.strided.gather @!p1 [hbm4b:s24+s25], $0x4000, s26, s25, $0x38;
	[tilespmem:$0x10100] =	vst v63  }
0x50: {  	p1 =	sge.u32 s31, s7  }
.Ltmp2:
0x51: {  	_ = 	snop;
	(pc) =	sbr.rel @p1 .LBB1_5-.Ltmp2, $1  }
0x52: {  	_ =	sdelay $0x3  }
0x53: {  	s23 =	simm.s32 $0x1  }
0x54: {  	_ =	swait.ge [sflag:s6], $0x4000;
	s23 =	simm.s32 @!p0 $0x0  }
0x55: {  	[sflag:s6] =	ssyncset.done $0x0;
	s24 =	sshll.u32 s23, $0xE  }
0x56: {  	[sflag:s6] =	ssyncadd.s32 $0xFFFFC000;
	s24 =	sor.u32 $0x40, s24  }
0x57: {  	s23 =	smul.u32 $0x10200, s23;
	v0 =	vld [tilespmem:s24+$0x30]  }
0x58: {  	v1 =	vld [tilespmem:s24+$0xFFFFFFD0]  }
0x59: {  	s23 =	sshrl.u32 s23, $0x2;
	v5 =	vld [tilespmem:s24+$0xFFFFFFE0]  }
0x5a: {  	v6 =	vld [tilespmem:s24+$0xFFFFFFF0];
	s26 =	sor.u32 $0x8000, s23  }
0x5b: {  	s31 =	sand.u32 $0x1, s18;
	v4 =	vld [tilespmem:s24+$0x0];
	s25 =	sadd.s32 $0x0, s26  }
0x5c: {  	v3 =	vld [tilespmem:s24+$0x10];
	s23 =	smul.u32 $0x10200, s31;
	[tilespmem:s25+$0x3870 ss:$0x81] =	vst.msk $0xffff, v0  }
0x5d: {  	v2 =	vld [tilespmem:s24+$0x20];
	[tilespmem:s25+$0x810 ss:$0x81] =	vst.msk $0xffff, v1  }
0x5e: {  	s23 =	sshrl.u32 s23, $0x2;
	v0 =	vld [tilespmem:s24+$0xFFFFFFC0];
	[tilespmem:s25+$0x1020 ss:$0x81] =	vst.msk $0xffff, v5;
	s24 =	sadd.s32 $0x80, s24  }
0x5f: {  	s27 =	simm.s32 $0x4;
	s28 =	simm.s32 $0x8;
	s23 =	sor.u32 $0x8000, s23;
	[tilespmem:s25+$0x1830 ss:$0x81] =	vst.msk $0xffff, v6;
	v1 =	vld [tilespmem:s24+$0x30]  }
.LBB1_3:
0x60: {  	p1 =	sne.s32 s28, $0x1FC;
	v5 =	vld [tilespmem:s24+$0xFFFFFFD0];
	[tilespmem:s25+$0x2040 ss:$0x81] =	vst.msk $0xffff, v4  }
0x61: {  	v6 =	vld [tilespmem:s24+$0xFFFFFFE0];
	[tilespmem:s25+$0x2850 ss:$0x81] =	vst.msk $0xffff, v3  }
0x62: {  	s29 =	sshra.s32 s27, $0x2;
	s27 =	smov.u32 s28;
	v7 =	vld [tilespmem:s24+$0xFFFFFFF0];
	[tilespmem:s25+$0x3060 ss:$0x81] =	vst.msk $0xffff, v2  }
.Ltmp3:
0x63: {  	v4 =	vld [tilespmem:s24+$0x0];
	[tilespmem:s25+$0x0 ss:$0x81] =	vst.msk $0xffff, v0;
	s25 =	sadd.s32 s29, s26;
	(pc) =	sbr.rel @p1 .LBB1_3-.Ltmp3, $4  }
0x64: {  	v3 =	vld [tilespmem:s24+$0x10];
	[tilespmem:s25+$0x3870 ss:$0x81] =	vst.msk $0xffff, v1  }
0x65: {  	[tilespmem:s25+$0x810 ss:$0x81] =	vst.msk $0xffff, v5;
	v2 =	vld [tilespmem:s24+$0x20]  }
0x66: {  	v0 =	vld [tilespmem:s24+$0xFFFFFFC0];
	[tilespmem:s25+$0x1020 ss:$0x81] =	vst.msk $0xffff, v6;
	s24 =	sadd.s32 $0x80, s24  }
0x67: {  	s28 =	sadd.s32 $0x4, s28;
	v1 =	vld [tilespmem:s24+$0x30];
	[tilespmem:s25+$0x1830 ss:$0x81] =	vst.msk $0xffff, v7  }
.Ltmp4:
0x68: {  	_ = 	snop;
	(pc) =	sbr.rel .LBB1_4-.Ltmp4, $1  }
0x69: {  	_ =	sdelay $0x3  }
.LBB1_6:
0x6a: {  	_ =	sfence.sel $0x180000  }
0x6b: {  	s0 =	simm.s32 $0x1;
	[bflag:$0x0] =	sbarrier.arrive $0xFFFF  }
0x6c: {  	s31 =	simm.s32 $0x2;
	[sflag:s0] =	ssyncpa.u1 $0x1  }
0x6d: {  	[sflag:s31] =	ssyncpa.u1 $0x1  }
0x6e: {  	_ =	strace $0x9000004A  }
0x6f: {  	[bflag:$0x2] =	sbarrier.arrive $0xFFFF  }
0x70: {  	p0 =	sne.s32 s1, $0x0;
	s0 =	rddreg [dreg:$0x1]  }
0x71: {  	s0 =	sadd.s32 @!p0 $0x100000, s0  }
0x72: {  	[sflag:s0] =	ssyncadd.tile.s32 @!p0 $0x1;
	_ =	shalt  }
.Lfunc_end1:
_tile_overlayer_lowered:
.L_overlay_start_2:
0x73: {  	(tag) =	ssettag $0x2  }
0x74: {  	s0 =	rddreg [dreg:$0x0];
	s2 =	stileid.u32  }
0x75: {  	s1 =	rddreg [dreg:$0x1];
	p0 =	sne.s32 s2, $0x0  }
0x76: {  	s3 =	rddreg [dreg:$0x2];
	[bflag:$0x3] =	sbarrier.arrive $0xFFFF;
	s2 =	simm.s32 @!p0 $0x1C01  }
0x77: {  	[timem:s3], [sflag:s2] =	dma.local @!p0 [hbm:s0], s1  }
0x78: {  	s0 =	simm.s32 @!p0 $0x1  }
0x79: {  	_ =	swait.ge @!p0 [sflag:s0], s1  }
0x7a: {  	s1 =	ssub.s32 @!p0 $0x0, s1;
	[sflag:s0] =	ssyncset.done @!p0 $0x0  }
0x7b: {  	[sflag:s0] =	ssyncadd.s32 @!p0 s1  }
0x7c: {  	[bflag:$0x3] =	sbarrier.arrive $0xFFFF  }
0x7d: {  	_ =	shalt  }

// kernel: sparse-core-data-format-call.2.cloned.1.call-start
scs
called_computation.2_lowered:
.L_overlay_start_0:
0x0: {  	s1 =	sld [smem:$0x3FD9]  }
0x1: {  	s2 =	sld [smem:$0x3FFE];
	_ =	sdelay $0x1  }
0x2: {  	s3 =	srdreg.scid  }
0x3: {  	s0 =	sand.u32 $0x1, s3  }
0x4: {  	s17 =	sshll.u32 s0, $0xA;
	s1 =	sadd.s32 s2, s1  }
0x5: {  	s1 =	sadd.s32 s1, s17  }
0x6: {  	[smem:$0x3FBF] =	sst s1  }
0x7: {  	_ = 	snop  }
0x8: {  	(tm) =	ssettm $0x1  }
0x9: {  	s18 =	sld [smem:$0x3FFB];
	_ =	sdelay $0x3  }
0xa: {  	_ =	strace s18  }
0xb: {  	s1 =	sld [smem:$0x3FFC];
	_ =	sdelay $0x3  }
0xc: {  	_ =	strace s1  }
0xd: {  	s1 =	sld [smem:$0x3FFD];
	_ =	sdelay $0x3  }
0xe: {  	_ =	strace s1  }
0xf: {  	_ =	strace $0x8FFFFFFF  }
0x10: {  	s19 =	sld [smem:$0x3FDB];
	_ =	sdelay $0x1  }
0x11: {  	s20 =	simm.s32 $_scs_section_size  }
0x12: {  	s4 =	simm.s32 $_size__tile_overlayer_lowered;
	s5 =	simm.s32 $_tile_overlayer_lowered  }
0x13: {  	s23 =	simm.s32 $0x1BFF;
	s22 =	sshll.u32 s5, $0x1;
	s1 =	sadd.s32 s20, s19  }
0x14: {  	s6 =	simm.s32 $0x0;
	s21 =	sshll.u32 s4, $0x1;
	s4 =	sadd.s32 s22, s1  }
0x15: {  	[timem:s6], [sflag:s23] =	dma.local [hbm:s4], s21  }
0x16: {  	_ =	swait.ge [sflag:s23], s21  }
0x17: {  	s2 =	ssub.s32 $0x0, s21;
	[sflag:s23] =	ssyncset.done $0x0  }
0x18: {  	[sflag:s23] =	ssyncadd.s32 s2;
	_ =	sdelay $0x1  }
0x19: {  	s24 =	simm.s32 $0x1B8B  }
0x1a: {  	_ =	swait.ge [sflag:s24], $0x1  }
0x1b: {  	[sflag:s24] =	ssyncset.done $0x0  }
0x1c: {  	s26 =	simm.s32 $0x1B8E;
	s25 =	sld [smem:$0x3FFE];
	[sflag:s24] =	ssyncadd.s32 $0xFFFFFFFF  }
0x1d: {  	s27 =	simm.s32 $execute0_lowered;
	[smem:$0x3FD2] =	sst s26  }
0x1e: {  	s4 =	sshll.u32 s27, $0x1;
	_ =	strace $0x80000046;
	[dreg:$0x1] =	wrdreg $0xFFFFFFFF  }
0x1f: {  	s28 =	simm.s32 $_size_execute0_lowered;
	s1 =	sadd.s32 s1, s4;
	[dreg:$0x0] =	wrdreg $0x0  }
0x20: {  	s4 =	sshll.u32 s28, $0x1;
	[dreg:$0x2] =	wrdreg s1  }
0x21: {  	[dreg:$0x3] =	wrdreg s4  }
0x22: {  	[dreg:$0x4] =	wrdreg $0xC0  }
0x23: {  	_ =	task [dreg:s6], $0x5FFFF  }
0x24: {  	[dreg:$0x1] =	wrdreg $0xFFFFFFFF  }
0x25: {  	[dreg:$0x0] =	wrdreg $0x60  }
0x26: {  	[dreg:$0x2] =	wrdreg s25  }
0x27: {  	[dreg:$0x3] =	wrdreg $0x9  }
0x28: {  	_ =	task.clear_ibuf [dreg:s6], $0x4FFFF;
	_ =	strace $0x90000046  }
0x29: {  	s29 =	simm.s32 $0x9;
	_ =	strace $0x80000048  }
0x2a: {  	_ =	swait.ge [sflag:s29], $0x1  }
0x2b: {  	[sflag:s29] =	ssyncadd.s32 $0xFFFFFFFF  }
0x2c: {  	_ =	strace $0x90000048  }
0x2d: {  	_ =	sfence  }
0x2e: {  	s30 =	sld [smem:$0x0];
	_ =	sdelay $0x2  }
0x2f: {  	s31 =	sshll.u32 s3, $0xD;
	s3 =	sshrl.u32 s3, $0x2  }
0x30: {  	s2 =	sand.u32 $0x4000, s31;
	s1 =	sadd.s32 s3, s30  }
0x31: {  	s0 =	sor.u32 s2, s0;
	s1 =	sshll.u32 s1, $0x11  }
0x32: {  	s0 =	sor.u32 s1, s0  }
0x33: {  	s0 =	sadd.s32 $0x8F2B, s0  }
0x34: {  	[sflag:s0] =	ssyncadd.remote.s32 $0x1  }
0x35: {  	_ =	sfence.sel $0xFFFF  }
0x36: {  	[dreg:$0x0] =	wrdreg $0xFFFFFFFF;
	(pc) =	sbr.abs _section_cstart, $3  }
0x37: {  	[dreg:$0x1] =	wrdreg $0xFFFFFFFF  }
0x38: {  	_ =	task.clear_ibuf [dreg:s6], $0x2FFFF;
	_ =	strace $0x9FFFFFFF  }
0x39: {  	(tm) =	ssettm $0x7FFFFFFF  }
tec
execute0_lowered:
.L_overlay_start_1:
0x0: {  	(tag) =	ssettag $0x1  }
0x1: {  	s7 =	rddreg [dreg:$0x0];
	s3 =	srdreg.scid  }
0x2: {  	s1 =	stileid.u32;
	s0 =	rddreg [dreg:$0x1];
	_ =	strace $0x80000047  }
0x3: {  	s31 =	simm.s32 $0x2;
	s16 =	simm.s32 $0x0;
	s18 =	simm.s32 $0x0  }
0x4: {  	s17 =	simm.s32 $0x0;
	s19 =	simm.s32 $0x0;
	s20 =	simm.s32 $0x0  }
0x5: {  	s12 =	simm.s32 $0x0;
	s5 =	sshll.u32 s3, $0x7;
	s2 =	sand.u32 $0x1, s1  }
0x6: {  	s4 =	sshrl.u32 s1, $0x1;
	s6 =	sshll.u32 s1, $0x5;
	s8 =	sshll.u32 s3, $0x9  }
0x7: {  	s3 =	sand.u32 $0x1, s4;
	s25 =	sor.u32 s6, s8;
	s26 =	ssub.s32 $0x2, s2  }
0x8: {  	s4 =	sand.u32 $0x380, s25;
	s27 =	sshrl.u32 s26, $0x1;
	s6 =	sand.u32 $0x1, s26  }
0x9: {  	s28 =	ssub.s32 $0x2, s3;
	s6 =	sadd.s32 s6, s27;
	s9 =	ssub.s32 $0x400, s4  }
0xa: {  	s10 =	sshrl.u32 s28, $0x1;
	s8 =	sand.u32 $0x1, s28;
	s11 =	sand.u32 $0x380, s9  }
0xb: {  	s8 =	sadd.s32 s8, s10;
	s10 =	simm.s32 $0x1;
	p0 =	sne.s32 s11, $0x0  }
0xc: {  	s9 =	sshrl.u32 s9, $0xA;
	s6 =	smul.u32 s8, s6;
	s10 =	simm.s32 @!p0 $0x0  }
0xd: {  	s14 =	simm.s32 $0x0;
	s15 =	simm.s32 $0x0;
	s9 =	sadd.s32 s10, s9  }
0xe: {  	s29 =	sand.u32 $0x80, s5;
	s5 =	simm.s32 $0x1;
	s6 =	smul.u32 s9, s6  }
.Ltmp0:
0xf: {  	s30 =	sshll.u32 s1, $0x3;
	[sflag:s5] =	ssyncpa.u1 $0x0;
	(pc) =	sbr.rel .LBB1_1-.Ltmp0, $4  }
0x10: {  	s13 =	smov.u32 s2;
	[sflag:s31] =	ssyncpa.u1 $0x0;
	s8 =	sadd.s32 s29, s7  }
0x11: {  	s7 =	sadd.s32 $0x2C0600, s7;
	s9 =	sand.u32 $0x70, s30;
	s6 =	smul.u32 $0x90, s6  }
0x12: {  	s11 =	simm.s32 $0x12000;
	p0 =	por $0x0, $0x0;
	s8 =	sadd.s32 s9, s8  }
0x13: {  	s10 =	simm.s32 $0x20;
	s8 =	sadd.s32 $0xFE600, s8;
	s9 =	sor.u32 $0x1, s6  }
.LBB1_4:
0x14: {  	v5 =	vld [tilespmem:s24+$0xFFFFFFD0];
	[tilespmem:s23+$0x840 ss:$0x21] =	vst.msk $0xffff, v1  }
0x15: {  	v58 =	vld [tilespmem:s24+$0xFFFFFFE0];
	[tilespmem:s23+$0xA50 ss:$0x21] =	vst.msk $0xffff, v2  }
0x16: {  	s25 =	sshra.s32 s25, $0x2;
	v59 =	vld [tilespmem:s24+$0xFFFFFFF0];
	[tilespmem:s23+$0xC60 ss:$0x21] =	vst.msk $0xffff, v3  }
0x17: {  	v60 =	vld [tilespmem:s24+$0x0];
	[tilespmem:s23+$0x0 ss:$0x21] =	vst.msk $0xffff, v0;
	s22 =	sadd.s32 s25, s22  }
0x18: {  	v61 =	vld [tilespmem:s24+$0x10];
	[tilespmem:s22+$0xE70 ss:$0x21] =	vst.msk $0xffff, v4  }
0x19: {  	v62 =	vld [tilespmem:s24+$0x20];
	s20 =	smul.u32 $0x300, s20;
	[tilespmem:s22+$0x210 ss:$0x21] =	vst.msk $0xffff, v5  }
0x1a: {  	v63 =	vld [tilespmem:s24+$0xFFFFFFC0];
	[tilespmem:s22+$0x420 ss:$0x21] =	vst.msk $0xffff, v58  }
0x1b: {  	s19 =	sshll.u32 s19, $0x5;
	s20 =	sadd.s32 s7, s20;
	[tilespmem:s22+$0x630 ss:$0x21] =	vst.msk $0xffff, v59  }
0x1c: {  	s17 =	sshll.u32 s17, $0x6;
	s19 =	sadd.s32 s19, s20;
	[tilespmem:s22+$0x840 ss:$0x21] =	vst.msk $0xffff, v60  }
0x1d: {  	s16 =	smul.u32 $0x2400, s16;
	s18 =	sshll.u32 s18, $0x4;
	s17 =	sadd.s32 s17, s19;
	[tilespmem:s22+$0xA50 ss:$0x21] =	vst.msk $0xffff, v61  }
0x1e: {  	[tilespmem:s22+$0xC60 ss:$0x21] =	vst.msk $0xffff, v62;
	s17 =	sadd.s32 s18, s17  }
0x1f: {  	[tilespmem:s22+$0x0 ss:$0x21] =	vst.msk $0xffff, v63;
	s16 =	sadd.s32 s16, s17  }
0x20: {  	[hbm4b:s16+s10] =	stream.strided.scatter [tilespmem:s21], [sflag:$0x2], $0x1000, s11, s10, $0x10;
	[tilespmem:$0x4100] =	vst v63  }
.LBB1_5:
0x21: {  	s21 =	sadd.s32 $0x1, s12  }
0x22: {  	s16 =	sadd.s32 $0x2, s13;
	s22 =	smov.u32 s13;
	p2 =	sgt.s32 s21, $0xB  }
0x23: {  	s22 =	smov.u32 @p2 s16  }
0x24: {  	s16 =	simm.s32 $0x1;
	p3 =	sgt.s32 s22, $0x1  }
0x25: {  	s16 =	simm.s32 @!p3 $0x0  }
0x26: {  	p1 =	slt.u32 s15, $0x2;
	s23 =	sadd.s32 s16, s14  }
0x27: {  	s24 =	sadd.s32 $0x1, s15;
	s21 =	simm.s32 @p2 $0x0;
	p2 =	sgt.s32 s23, $0xB  }
0x28: {  	s17 =	smov.u32 s12;
	s23 =	simm.s32 @p2 $0x0;
	p2 =	sne.s32 s15, s9  }
.Ltmp1:
0x29: {  	s19 =	smov.u32 s13;
	s18 =	simm.s32 @!p1 $0x2;
	(pc) =	sbr.rel @!p2 .LBB1_6-.Ltmp1, $4  }
0x2a: {  	s20 =	smov.u32 s14;
	p0 =	por !p0, !p0;
	_ =	swait.ge @!p1 [sflag:s18], $0x1000  }
0x2b: {  	[sflag:s18] =	ssyncset.done @!p1 $0x0;
	s12 =	smov.u32 s21;
	s22 =	smov.u32 @p3 s2  }
0x2c: {  	[sflag:s18] =	ssyncadd.s32 @!p1 $0xFFFFF000;
	s18 =	smov.u32 s3;
	s16 =	smov.u32 s4  }
0x2d: {  	s13 =	smov.u32 s22;
	s15 =	smov.u32 s24;
	s14 =	smov.u32 s23  }
.LBB1_1:
0x2e: {  	p1 =	sge.u32 s15, s6  }
0x2f: {  	p2 =	sgt.s32 @!p1 s14, $0xB  }
0x30: {  	s21 =	smov.u32 s14;
	s22 =	sshra.s32 @!p1 s14, $0x1F;
	p2 =	por !p2, p1  }
0x31: {  	s22 =	sand.u32 @!p1 s22, s14;
	s21 =	simm.s32 @p2 $0xB  }
0x32: {  	s21 =	ssub.s32 @!p1 s21, s22  }
0x33: {  	s23 =	smov.u32 s13;
	p3 =	sgt.s32 @!p1 s13, $0x1;
	s22 =	sadd.s32 @!p1 $0xFFFFFFF5, s21  }
0x34: {  	s24 =	sshra.s32 @!p1 s12, $0x1F;
	p2 =	sgt.s32 @!p1 s22, $0x0;
	s22 =	sshra.s32 @!p1 s13, $0x1F  }
0x35: {  	p3 =	por !p3, p1;
	s24 =	sand.u32 @!p1 s24, s12;
	s22 =	sand.u32 @!p1 s22, s13  }
0x36: {  	s23 =	simm.s32 @p3 $0x1;
	p3 =	sgt.s32 @!p1 s12, $0xB;
	s22 =	sxor.u32 @!p1 $0xFFFFFFFF, s22  }
0x37: {  	p3 =	por !p3, p1;
	s22 =	sadd.s32 @!p1 s22, s23;
	s23 =	smov.u32 s12  }
0x38: {  	s21 =	ssub.s32 @!p1 $0xC, s21;
	s25 =	ssub.s32 @!p1 $0x1, s22;
	s23 =	simm.s32 @p3 $0xB  }
0x39: {  	p3 =	sgt.s32 @!p1 s22, $0x0;
	s22 =	ssub.s32 @!p1 s23, s24;
	s23 =	smul.u32 @!p1 $0xC80, s25  }
0x3a: {  	p2 =	por !p2, p1;
	p3 =	por !p3, p1;
	s24 =	sadd.s32 @!p1 $0xFFFFFFF5, s22  }
0x3b: {  	s21 =	simm.s32 @!p2 $0x0;
	p2 =	sgt.s32 @!p1 s24, $0x0;
	s23 =	simm.s32 @!p3 $0x0  }
0x3c: {  	s22 =	ssub.s32 @!p1 $0xC, s22;
	p2 =	por !p2, p1;
	s21 =	smul.u32 @!p1 s21, s23  }
0x3d: {  	s22 =	simm.s32 @!p2 $0x0  }
0x3e: {  	s21 =	smul.u32 @!p1 s22, s21  }
0x3f: {  	s22 =	smul.u32 @!p1 $0x25800, s14  }
0x40: {  	s31 =	sadd.s32 $0xFFFFFFFF, s15;
	s24 =	smul.u32 @!p1 $0x12C00, s13;
	s23 =	sxor.u32 @!p1 $0xFFFFFFFF, s15  }
0x41: {  	s25 =	smul.u32 @!p1 $0x1900, s12;
	s23 =	sshll.u32 @!p1 s23, $0xC;
	s22 =	sadd.s32 @!p1 s22, s8  }
0x42: {  	s23 =	sand.u32 @!p1 $0x1000, s23;
	s21 =	sand.u32 @!p1 $0x3FFFFF80, s21;
	s22 =	sadd.s32 @!p1 s24, s22  }
0x43: {  	s24 =	simm.s32 @!p1 $0x80;
	s22 =	sadd.s32 @!p1 s25, s22;
	s25 =	simm.s32 @!p1 $0x800  }
0x44: {  	[tilespmem:s23], [sflag:$0x1] =	stream.strided.gather @!p1 [hbm4b:s22+s24], s21, s25, s24, $0x38;
	[tilespmem:$0x4100] =	vst v63  }
0x45: {  	p1 =	sge.u32 s31, s6  }
.Ltmp2:
0x46: {  	_ = 	snop;
	(pc) =	sbr.rel @p1 .LBB1_5-.Ltmp2, $1  }
0x47: {  	_ =	sdelay $0x3  }
0x48: {  	p1 =	sgt.s32 s20, $0xB  }
0x49: {  	s21 =	smov.u32 s20;
	s22 =	sshra.s32 s20, $0x1F;
	s23 =	sshra.s32 s19, $0x1F  }
0x4a: {  	s21 =	simm.s32 @!p1 $0xB;
	s22 =	sand.u32 s22, s20;
	p1 =	sgt.s32 s19, $0x1  }
0x4b: {  	s23 =	sand.u32 s23, s19;
	s21 =	ssub.s32 s21, s22;
	s22 =	smov.u32 s19  }
0x4c: {  	p2 =	sgt.s32 s17, $0xB;
	s23 =	sxor.u32 $0xFFFFFFFF, s23;
	s22 =	simm.s32 @!p1 $0x1  }
0x4d: {  	s25 =	sshra.s32 s17, $0x1F;
	s24 =	sadd.s32 $0xFFFFFFF5, s21;
	s22 =	sadd.s32 s23, s22  }
0x4e: {  	p1 =	sgt.s32 s24, $0x0;
	s24 =	smov.u32 s17;
	s23 =	ssub.s32 $0x1, s22  }
0x4f: {  	s25 =	sand.u32 s25, s17;
	s24 =	simm.s32 @!p2 $0xB;
	s23 =	smul.u32 $0xC80, s23  }
0x50: {  	s21 =	ssub.s32 $0xC, s21;
	p2 =	sgt.s32 s22, $0x0;
	s27 =	ssub.s32 s24, s25  }
0x51: {  	s21 =	simm.s32 @p1 $0x0;
	s24 =	sadd.s32 $0xFFFFFFF5, s27;
	s23 =	simm.s32 @p2 $0x0  }
0x52: {  	s22 =	ssub.s32 $0xC, s27;
	p1 =	sgt.s32 s24, $0x0;
	s21 =	smul.u32 s21, s23  }
0x53: {  	s22 =	simm.s32 @p1 $0x0  }
0x54: {  	s21 =	smul.u32 s22, s21;
	_ =	sdelay $0x1  }
0x55: {  	s22 =	simm.s32 $0x1;
	s21 =	sand.u32 $0x3FFFFF80, s21  }
0x56: {  	s22 =	simm.s32 @!p0 $0x0;
	_ =	swait.ge [sflag:s5], s21  }
0x57: {  	s28 =	sshll.u32 s22, $0xC;
	s21 =	ssub.s32 $0x0, s21;
	[sflag:s5] =	ssyncset.done $0x0  }
0x58: {  	s29 =	sor.u32 $0x40, s28;
	[sflag:s5] =	ssyncadd.s32 s21  }
0x59: {  	s30 =	smul.u32 $0x4200, s22;
	v0 =	vld [tilespmem:s29+$0x30]  }
0x5a: {  	v3 =	vld [tilespmem:s29+$0xFFFFFFD0]  }
0x5b: {  	s21 =	sshrl.u32 s30, $0x2;
	v4 =	vld [tilespmem:s29+$0xFFFFFFE0]  }
0x5c: {  	s22 =	sor.u32 $0x2000, s21;
	v5 =	vld [tilespmem:s29+$0xFFFFFFF0]  }
0x5d: {  	s31 =	sand.u32 $0x1, s15;
	v1 =	vld [tilespmem:s29+$0x0];
	s23 =	sadd.s32 $0x0, s22  }
0x5e: {  	s21 =	smul.u32 $0x4200, s31;
	v2 =	vld [tilespmem:s29+$0x10];
	[tilespmem:s23+$0xE70 ss:$0x21] =	vst.msk $0xffff, v0  }
0x5f: {  	[tilespmem:s23+$0x210 ss:$0x21] =	vst.msk $0xffff, v3;
	v3 =	vld [tilespmem:s29+$0x20]  }
0x60: {  	s24 =	sadd.s32 $0x80, s29;
	s21 =	sshrl.u32 s21, $0x2;
	v0 =	vld [tilespmem:s29+$0xFFFFFFC0];
	[tilespmem:s23+$0x420 ss:$0x21] =	vst.msk $0xffff, v4  }
0x61: {  	s26 =	simm.s32 $0x8;
	s25 =	simm.s32 $0x4;
	s21 =	sor.u32 $0x2000, s21;
	v4 =	vld [tilespmem:s24+$0x30];
	[tilespmem:s23+$0x630 ss:$0x21] =	vst.msk $0xffff, v5  }
.LBB1_3:
0x62: {  	p1 =	sne.s32 s26, $0x7C;
	v5 =	vld [tilespmem:s24+$0xFFFFFFD0];
	[tilespmem:s23+$0x840 ss:$0x21] =	vst.msk $0xffff, v1  }
0x63: {  	v6 =	vld [tilespmem:s24+$0xFFFFFFE0];
	[tilespmem:s23+$0xA50 ss:$0x21] =	vst.msk $0xffff, v2  }
0x64: {  	s27 =	sshra.s32 s25, $0x2;
	s25 =	smov.u32 s26;
	v7 =	vld [tilespmem:s24+$0xFFFFFFF0];
	[tilespmem:s23+$0xC60 ss:$0x21] =	vst.msk $0xffff, v3  }
.Ltmp3:
0x65: {  	v1 =	vld [tilespmem:s24+$0x0];
	[tilespmem:s23+$0x0 ss:$0x21] =	vst.msk $0xffff, v0;
	s23 =	sadd.s32 s27, s22;
	(pc) =	sbr.rel @p1 .LBB1_3-.Ltmp3, $4  }
0x66: {  	v2 =	vld [tilespmem:s24+$0x10];
	[tilespmem:s23+$0xE70 ss:$0x21] =	vst.msk $0xffff, v4  }
0x67: {  	[tilespmem:s23+$0x210 ss:$0x21] =	vst.msk $0xffff, v5;
	v3 =	vld [tilespmem:s24+$0x20]  }
0x68: {  	v0 =	vld [tilespmem:s24+$0xFFFFFFC0];
	[tilespmem:s23+$0x420 ss:$0x21] =	vst.msk $0xffff, v6;
	s24 =	sadd.s32 $0x80, s24  }
0x69: {  	s26 =	sadd.s32 $0x4, s26;
	v4 =	vld [tilespmem:s24+$0x30];
	[tilespmem:s23+$0x630 ss:$0x21] =	vst.msk $0xffff, v7  }
.Ltmp4:
0x6a: {  	_ = 	snop;
	(pc) =	sbr.rel .LBB1_4-.Ltmp4, $1  }
0x6b: {  	_ =	sdelay $0x3  }
.LBB1_6:
0x6c: {  	_ =	sfence.sel $0x180000  }
0x6d: {  	s2 =	simm.s32 $0x1;
	[bflag:$0x0] =	sbarrier.arrive $0xFFFF  }
0x6e: {  	s31 =	simm.s32 $0x2;
	[sflag:s2] =	ssyncpa.u1 $0x1  }
0x6f: {  	[sflag:s31] =	ssyncpa.u1 $0x1  }
0x70: {  	p0 =	sne.s32 s1, $0x0;
	_ =	strace $0x90000047  }
0x71: {  	s0 =	sadd.s32 @!p0 $0x100000, s0;
	[bflag:$0x2] =	sbarrier.arrive $0xFFFF  }
0x72: {  	[sflag:s0] =	ssyncadd.tile.s32 @!p0 $0x1;
	_ =	shalt  }
.Lfunc_end1:
_tile_overlayer_lowered:
.L_overlay_start_2:
0x73: {  	(tag) =	ssettag $0x2  }
0x74: {  	s0 =	rddreg [dreg:$0x0];
	s2 =	stileid.u32  }
0x75: {  	s1 =	rddreg [dreg:$0x1];
	p0 =	sne.s32 s2, $0x0  }
0x76: {  	s3 =	rddreg [dreg:$0x2];
	[bflag:$0x3] =	sbarrier.arrive $0xFFFF;
	s2 =	simm.s32 @!p0 $0x1C01  }
0x77: {  	[timem:s3], [sflag:s2] =	dma.local @!p0 [hbm:s0], s1  }
0x78: {  	s0 =	simm.s32 @!p0 $0x1  }
0x79: {  	_ =	swait.ge @!p0 [sflag:s0], s1  }
0x7a: {  	s1 =	ssub.s32 @!p0 $0x0, s1;
	[sflag:s0] =	ssyncset.done @!p0 $0x0  }
0x7b: {  	[sflag:s0] =	ssyncadd.s32 @!p0 s1  }
0x7c: {  	[bflag:$0x3] =	sbarrier.arrive $0xFFFF  }
0x7d: {  	_ =	shalt  }

// kernel: sparse-core-data-format-call.cloned.1.call-start
scs
called_computation_lowered:
.L_overlay_start_0:
0x0: {  	s1 =	sld [smem:$0x3FD9]  }
0x1: {  	s2 =	sld [smem:$0x3FFE];
	_ =	sdelay $0x1  }
0x2: {  	s3 =	srdreg.scid  }
0x3: {  	s0 =	sand.u32 $0x1, s3  }
0x4: {  	s17 =	sshll.u32 s0, $0xA;
	s1 =	sadd.s32 s2, s1  }
0x5: {  	s1 =	sadd.s32 s1, s17  }
0x6: {  	[smem:$0x3FBF] =	sst s1  }
0x7: {  	_ = 	snop  }
0x8: {  	(tm) =	ssettm $0x1  }
0x9: {  	s18 =	sld [smem:$0x3FFB];
	_ =	sdelay $0x3  }
0xa: {  	_ =	strace s18  }
0xb: {  	s1 =	sld [smem:$0x3FFC];
	_ =	sdelay $0x3  }
0xc: {  	_ =	strace s1  }
0xd: {  	s1 =	sld [smem:$0x3FFD];
	_ =	sdelay $0x3  }
0xe: {  	_ =	strace s1  }
0xf: {  	_ =	strace $0x8FFFFFFF  }
0x10: {  	s19 =	sld [smem:$0x3FDB];
	_ =	sdelay $0x1  }
0x11: {  	s20 =	simm.s32 $_scs_section_size  }
0x12: {  	s4 =	simm.s32 $_size__tile_overlayer_lowered;
	s5 =	simm.s32 $_tile_overlayer_lowered  }
0x13: {  	s23 =	simm.s32 $0x1BFF;
	s22 =	sshll.u32 s5, $0x1;
	s1 =	sadd.s32 s20, s19  }
0x14: {  	s6 =	simm.s32 $0x0;
	s21 =	sshll.u32 s4, $0x1;
	s4 =	sadd.s32 s22, s1  }
0x15: {  	[timem:s6], [sflag:s23] =	dma.local [hbm:s4], s21  }
0x16: {  	_ =	swait.ge [sflag:s23], s21  }
0x17: {  	s2 =	ssub.s32 $0x0, s21;
	[sflag:s23] =	ssyncset.done $0x0  }
0x18: {  	[sflag:s23] =	ssyncadd.s32 s2;
	_ =	sdelay $0x1  }
0x19: {  	s24 =	simm.s32 $0x1B8B  }
0x1a: {  	_ =	swait.ge [sflag:s24], $0x1  }
0x1b: {  	[sflag:s24] =	ssyncset.done $0x0  }
0x1c: {  	s26 =	simm.s32 $0x1B8E;
	s25 =	sld [smem:$0x3FFE];
	[sflag:s24] =	ssyncadd.s32 $0xFFFFFFFF  }
0x1d: {  	s27 =	simm.s32 $execute0_lowered;
	[smem:$0x3FD2] =	sst s26  }
0x1e: {  	s4 =	sshll.u32 s27, $0x1;
	_ =	strace $0x8000004C;
	[dreg:$0x1] =	wrdreg $0xFFFFFFFF  }
0x1f: {  	s28 =	simm.s32 $_size_execute0_lowered;
	s1 =	sadd.s32 s1, s4;
	[dreg:$0x0] =	wrdreg $0x0  }
0x20: {  	s4 =	sshll.u32 s28, $0x1;
	[dreg:$0x2] =	wrdreg s1  }
0x21: {  	[dreg:$0x3] =	wrdreg s4  }
0x22: {  	[dreg:$0x4] =	wrdreg $0xC0  }
0x23: {  	_ =	task [dreg:s6], $0x5FFFF  }
0x24: {  	[dreg:$0x1] =	wrdreg $0xFFFFFFFF  }
0x25: {  	[dreg:$0x0] =	wrdreg $0x60  }
0x26: {  	[dreg:$0x2] =	wrdreg s25  }
0x27: {  	[dreg:$0x3] =	wrdreg $0x9  }
0x28: {  	_ =	task.clear_ibuf [dreg:s6], $0x4FFFF;
	_ =	strace $0x9000004C  }
0x29: {  	s29 =	simm.s32 $0x9;
	_ =	strace $0x8000004E  }
0x2a: {  	_ =	swait.ge [sflag:s29], $0x1  }
0x2b: {  	[sflag:s29] =	ssyncadd.s32 $0xFFFFFFFF  }
0x2c: {  	_ =	strace $0x9000004E  }
0x2d: {  	_ =	sfence  }
0x2e: {  	s30 =	sld [smem:$0x0];
	_ =	sdelay $0x2  }
0x2f: {  	s31 =	sshll.u32 s3, $0xD;
	s3 =	sshrl.u32 s3, $0x2  }
0x30: {  	s2 =	sand.u32 $0x4000, s31;
	s1 =	sadd.s32 s3, s30  }
0x31: {  	s0 =	sor.u32 s2, s0;
	s1 =	sshll.u32 s1, $0x11  }
0x32: {  	s0 =	sor.u32 s1, s0  }
0x33: {  	s0 =	sadd.s32 $0x8F2B, s0  }
0x34: {  	[sflag:s0] =	ssyncadd.remote.s32 $0x1  }
0x35: {  	_ =	sfence.sel $0xFFFF  }
0x36: {  	[dreg:$0x0] =	wrdreg $0xFFFFFFFF;
	(pc) =	sbr.abs _section_cstart, $3  }
0x37: {  	[dreg:$0x1] =	wrdreg $0xFFFFFFFF  }
0x38: {  	_ =	task.clear_ibuf [dreg:s6], $0x2FFFF;
	_ =	strace $0x9FFFFFFF  }
0x39: {  	(tm) =	ssettm $0x7FFFFFFF  }
tec
execute0_lowered:
.L_overlay_start_1:
0x0: {  	(tag) =	ssettag $0x1  }
0x1: {  	s4 =	rddreg [dreg:$0x0]  }
0x2: {  	s0 =	rddreg [dreg:$0x1];
	s1 =	stileid.u32;
	_ =	strace $0x8000004D  }
0x3: {  	s3 =	srdreg.scid;
	s31 =	simm.s32 $0x2;
	s19 =	simm.s32 $0x0  }
0x4: {  	p0 =	por $0x0, $0x0;
	s10 =	simm.s32 $0x2000;
	s18 =	simm.s32 $0x0  }
0x5: {  	s20 =	simm.s32 $0x0;
	s22 =	simm.s32 $0x0;
	s21 =	simm.s32 $0x0  }
0x6: {  	s23 =	simm.s32 $0x0;
	s11 =	simm.s32 $0x0;
	s12 =	simm.s32 $0x0  }
0x7: {  	s13 =	simm.s32 $0x0;
	s17 =	simm.s32 $0x0;
	s5 =	sshrl.u32 s1, $0x2  }
0x8: {  	s2 =	sadd.s32 $0x2600, s4;
	s6 =	sshll.u32 s3, $0x4;
	s4 =	sadd.s32 $0x3F2600, s4  }
0x9: {  	s3 =	sand.u32 $0x1, s5;
	s29 =	sand.u32 $0x10, s6;
	s5 =	sand.u32 $0x3, s1  }
.Ltmp0:
0xa: {  	s6 =	simm.s32 $0x1;
	s30 =	ssub.s32 $0x2, s3;
	(pc) =	sbr.rel .LBB1_1-.Ltmp0, $4  }
0xb: {  	s8 =	sor.u32 s1, s29;
	s7 =	sshrl.u32 s30, $0x1;
	s9 =	sand.u32 $0x1, s30  }
0xc: {  	[sflag:s6] =	ssyncpa.u1 $0x0;
	s15 =	smov.u32 s3;
	s7 =	sadd.s32 s9, s7  }
0xd: {  	s16 =	smov.u32 s5;
	s8 =	sshrl.u32 s8, $0x3;
	s7 =	sshll.u32 s7, $0x6  }
0xe: {  	[sflag:s31] =	ssyncpa.u1 $0x0;
	s14 =	smov.u32 s8;
	s9 =	sor.u32 $0x1, s7  }
.LBB1_6:
0xf: {  	v5 =	vld [tilespmem:s27+$0xFFFFFFD0];
	[tilespmem:s26+$0x2040 ss:$0x81] =	vst.msk $0xffff, v1  }
0x10: {  	v58 =	vld [tilespmem:s27+$0xFFFFFFE0];
	[tilespmem:s26+$0x2850 ss:$0x81] =	vst.msk $0xffff, v2  }
0x11: {  	s28 =	sshra.s32 s28, $0x2;
	v59 =	vld [tilespmem:s27+$0xFFFFFFF0];
	[tilespmem:s26+$0x3060 ss:$0x81] =	vst.msk $0xffff, v3  }
0x12: {  	v60 =	vld [tilespmem:s27+$0x0];
	[tilespmem:s26+$0x0 ss:$0x81] =	vst.msk $0xffff, v0;
	s25 =	sadd.s32 s28, s25  }
0x13: {  	v61 =	vld [tilespmem:s27+$0x10];
	[tilespmem:s25+$0x3870 ss:$0x81] =	vst.msk $0xffff, v4  }
0x14: {  	v62 =	vld [tilespmem:s27+$0x20];
	s31 =	sand.u32 $0x78, s18;
	s22 =	sshll.u32 s22, $0x7;
	s23 =	sshll.u32 s23, $0x8;
	[tilespmem:s25+$0x810 ss:$0x81] =	vst.msk $0xffff, v5  }
0x15: {  	v63 =	vld [tilespmem:s27+$0xFFFFFFC0];
	s21 =	sshll.u32 s21, $0x15;
	s20 =	sshll.u32 s20, $0x14;
	s23 =	sadd.s32 s4, s23;
	[tilespmem:s25+$0x1020 ss:$0x81] =	vst.msk $0xffff, v58  }
0x16: {  	s19 =	sshll.u32 s19, $0xA;
	s30 =	sand.u32 $0x7, s18;
	s21 =	sadd.s32 s21, s23;
	[tilespmem:s25+$0x1830 ss:$0x81] =	vst.msk $0xffff, v59  }
0x17: {  	s22 =	sand.u32 $0x180, s22;
	s28 =	sshrl.u32 s18, $0x1;
	s20 =	sadd.s32 s20, s21;
	[tilespmem:s25+$0x2040 ss:$0x81] =	vst.msk $0xffff, v60  }
0x18: {  	s22 =	sor.u32 s22, s31;
	s29 =	sand.u32 $0xC0, s28;
	s19 =	sadd.s32 s19, s20;
	[tilespmem:s25+$0x2850 ss:$0x81] =	vst.msk $0xffff, v61  }
0x19: {  	s18 =	sshll.u32 s30, $0x12;
	s31 =	sshrl.u32 s22, $0x3;
	[tilespmem:s25+$0x3060 ss:$0x81] =	vst.msk $0xffff, v62;
	s19 =	sadd.s32 s29, s19  }
0x1a: {  	s18 =	sor.u32 $0x80, s18;
	[tilespmem:s25+$0x0 ss:$0x81] =	vst.msk $0xffff, v63;
	s19 =	sadd.s32 s31, s19  }
0x1b: {  	[hbm4b:s19+s18] =	stream.strided.scatter [tilespmem:s24], [sflag:$0x2], $0x4000, s10, s18, $0x20;
	[tilespmem:$0x10100] =	vst v63  }
.LBB1_7:
0x1c: {  	s24 =	sadd.s32 $0x80, s11  }
0x1d: {  	s18 =	sadd.s32 $0x80, s12;
	s25 =	smov.u32 s12;
	p2 =	sgt.s32 s24, $0x3FF  }
0x1e: {  	s25 =	smov.u32 @p2 s18  }
0x1f: {  	s18 =	simm.s32 $0x1;
	p3 =	sgt.s32 s25, $0x1F3  }
0x20: {  	s18 =	simm.s32 @!p3 $0x0  }
0x21: {  	s27 =	smov.u32 s14;
	s26 =	sadd.s32 s18, s13  }
0x22: {  	s28 =	smov.u32 s15;
	s18 =	sadd.s32 $0x4, s14;
	p4 =	sgt.s32 s26, $0x1  }
0x23: {  	p1 =	slt.u32 s17, $0x2;
	s29 =	smov.u32 s16;
	s27 =	smov.u32 @p4 s18  }
0x24: {  	s19 =	smov.u32 s11;
	s18 =	sadd.s32 $0x2, s15;
	p5 =	sgt.s32 s27, $0x3  }
0x25: {  	s20 =	smov.u32 s13;
	s22 =	smov.u32 s14;
	s28 =	smov.u32 @p5 s18  }
0x26: {  	s24 =	simm.s32 @p2 $0x0;
	s18 =	sadd.s32 $0x4, s16;
	p2 =	sgt.s32 s28, $0x1  }
0x27: {  	s21 =	smov.u32 s15;
	s23 =	smov.u32 s16;
	s29 =	smov.u32 @p2 s18  }
0x28: {  	s30 =	simm.s32 @!p1 $0x2;
	s28 =	smov.u32 @p2 s3;
	p2 =	sgt.s32 s29, $0x3  }
0x29: {  	_ =	swait.ge @!p1 [sflag:s30], $0x4000;
	s29 =	smov.u32 @p2 s5;
	p2 =	sne.s32 s17, s9  }
.Ltmp1:
0x2a: {  	p0 =	por !p0, !p0;
	[sflag:s30] =	ssyncset.done @!p1 $0x0;
	(pc) =	sbr.rel @!p2 .LBB1_8-.Ltmp1, $4  }
0x2b: {  	s11 =	smov.u32 s24;
	s25 =	simm.s32 @p3 $0x0;
	s26 =	simm.s32 @p4 $0x0  }
0x2c: {  	[sflag:s30] =	ssyncadd.s32 @!p1 $0xFFFFC000;
	s13 =	smov.u32 s26;
	s27 =	smov.u32 @p5 s8  }
0x2d: {  	s14 =	smov.u32 s27;
	s18 =	smov.u32 s12;
	s12 =	smov.u32 s25  }
0x2e: {  	s15 =	smov.u32 s28;
	s17 =	sadd.s32 $0x1, s17;
	s16 =	smov.u32 s29  }
.LBB1_1:
0x2f: {  	p1 =	sge.u32 s17, s7  }
.Ltmp2:
0x30: {  	_ = 	snop;
	(pc) =	sbr.rel @p1 .LBB1_3-.Ltmp2, $1  }
0x31: {  	_ =	sdelay $0x3  }
0x32: {  	p1 =	sgt.s32 s16, $0x3;
	s24 =	smov.u32 s16;
	s25 =	sshra.s32 s16, $0x1F  }
0x33: {  	s26 =	sxor.u32 $0xFFFFFFFF, s17;
	s30 =	sshll.u32 s12, $0xA;
	s28 =	sshra.s32 s15, $0x1F  }
0x34: {  	s29 =	sshll.u32 s11, $0x3;
	s31 =	sshra.s32 s14, $0x1F;
	s24 =	simm.s32 @!p1 $0x3  }
0x35: {  	s25 =	sand.u32 s25, s16;
	s28 =	sand.u32 s28, s15;
	s31 =	sand.u32 s31, s14  }
0x36: {  	s25 =	ssub.s32 s24, s25;
	s24 =	sshll.u32 s26, $0xE;
	s26 =	sand.u32 $0xFFFFE000, s30  }
0x37: {  	s28 =	sxor.u32 $0xFFFFFFFF, s28;
	s30 =	smov.u32 s14;
	s27 =	sadd.s32 $0xFFFFFFFD, s25  }
0x38: {  	s25 =	ssub.s32 $0x4, s25;
	s26 =	sadd.s32 s26, s29;
	p1 =	sgt.s32 s27, $0x0  }
0x39: {  	s27 =	smov.u32 s15;
	s25 =	simm.s32 @p1 $0x0;
	p1 =	sgt.s32 s15, $0x1  }
0x3a: {  	s29 =	smov.u32 s12;
	s27 =	simm.s32 @!p1 $0x1;
	p1 =	sgt.s32 s14, $0x3  }
0x3b: {  	s24 =	sand.u32 $0x4000, s24;
	s27 =	sadd.s32 s28, s27;
	s30 =	simm.s32 @!p1 $0x3  }
0x3c: {  	p1 =	sgt.s32 s27, $0x0;
	s27 =	ssub.s32 $0x1, s27;
	s28 =	ssub.s32 s30, s31  }
0x3d: {  	s26 =	sshrl.u32 s26, $0xA;
	s27 =	simm.s32 @p1 $0x0;
	s30 =	sadd.s32 $0xFFFFFFFD, s28  }
0x3e: {  	s31 =	sshra.s32 s13, $0x1F;
	s25 =	smul.u32 s27, s25;
	p1 =	sgt.s32 s30, $0x0  }
0x3f: {  	s27 =	ssub.s32 $0x4, s28;
	s28 =	smov.u32 s13;
	s30 =	sand.u32 s31, s13  }
0x40: {  	s31 =	sshra.s32 s12, $0x1F;
	s27 =	simm.s32 @p1 $0x0;
	p1 =	sgt.s32 s13, $0x1  }
0x41: {  	s31 =	sand.u32 s31, s12;
	s25 =	smul.u32 s27, s25;
	s28 =	simm.s32 @!p1 $0x1  }
0x42: {  	s27 =	sxor.u32 $0xFFFFFFFF, s30;
	p1 =	sgt.s32 s12, $0x178;
	s30 =	sshra.s32 s11, $0x1F  }
0x43: {  	s27 =	sadd.s32 s27, s28;
	s29 =	simm.s32 @!p1 $0x178;
	s30 =	sand.u32 s30, s11  }
0x44: {  	p1 =	sgt.s32 s27, $0x0;
	s27 =	ssub.s32 $0x1, s27;
	s28 =	ssub.s32 s29, s31  }
0x45: {  	s31 =	sshll.u32 s12, $0x7;
	s27 =	simm.s32 @p1 $0x0;
	s29 =	sadd.s32 $0xFFFFFE88, s28  }
0x46: {  	s25 =	smul.u32 s27, s25;
	p1 =	sgt.s32 s29, $0x7F;
	s27 =	ssub.s32 $0x1F8, s28  }
0x47: {  	s31 =	sand.u32 $0x380, s31;
	s29 =	smulhi.u32 $0x820821, s26;
	s27 =	simm.s32 @p1 $0x0  }
0x48: {  	p1 =	sgt.s32 s11, $0x380;
	s25 =	smul.u32 s27, s25;
	s27 =	smov.u32 s11  }
0x49: {  	s28 =	sand.u32 $0x78, s11;
	s29 =	smul.u32 $0x1F8, s29;
	s27 =	simm.s32 @!p1 $0x380  }
0x4a: {  	s28 =	sor.u32 s28, s31;
	s31 =	smul.u32 $0xFC000, s16;
	s27 =	ssub.s32 s27, s30  }
0x4b: {  	s26 =	ssub.s32 s26, s29;
	s29 =	smul.u32 $0x7E000, s15;
	s30 =	sadd.s32 $0xFFFFFC80, s27  }
0x4c: {  	s31 =	sadd.s32 s2, s31;
	p1 =	sgt.s32 s30, $0x7F;
	s30 =	smul.u32 $0x1F800, s14  }
0x4d: {  	s27 =	ssub.s32 $0x400, s27;
	s29 =	sadd.s32 s29, s31;
	s31 =	smul.u32 $0xFC00, s13  }
0x4e: {  	s28 =	sshrl.u32 s28, $0x3;
	s27 =	simm.s32 @p1 $0x0;
	s30 =	sadd.s32 s30, s29  }
0x4f: {  	s25 =	smul.u32 s27, s25;
	s27 =	sadd.s32 s31, s30;
	s31 =	sand.u32 $0x7, s11  }
0x50: {  	s26 =	sshll.u32 s26, $0x7;
	s27 =	sadd.s32 s28, s27;
	s30 =	sshll.u32 s31, $0x12  }
0x51: {  	s25 =	sand.u32 $0x3FFFFFFF, s25;
	s26 =	sadd.s32 s26, s27;
	s31 =	sor.u32 $0x400, s30  }
0x52: {  	[tilespmem:s24], [sflag:$0x1] =	stream.strided.gather [hbm4b:s26+s31], s25, s10, s31, $0x38;
	[tilespmem:$0x10100] =	vst v63  }
.LBB1_3:
0x53: {  	s24 =	sadd.s32 $0xFFFFFFFF, s17  }
0x54: {  	p1 =	sge.u32 s24, s7  }
.Ltmp3:
0x55: {  	_ = 	snop;
	(pc) =	sbr.rel @p1 .LBB1_7-.Ltmp3, $1  }
0x56: {  	_ =	sdelay $0x3  }
0x57: {  	p1 =	sgt.s32 s23, $0x3  }
0x58: {  	s24 =	smov.u32 s23;
	s25 =	sshra.s32 s23, $0x1F;
	s26 =	sshra.s32 s21, $0x1F  }
0x59: {  	s24 =	simm.s32 @!p1 $0x3;
	s25 =	sand.u32 s25, s23;
	p1 =	sgt.s32 s21, $0x1  }
0x5a: {  	s26 =	sand.u32 s26, s21;
	s24 =	ssub.s32 s24, s25;
	s25 =	smov.u32 s21  }
0x5b: {  	s26 =	sxor.u32 $0xFFFFFFFF, s26;
	s27 =	sadd.s32 $0xFFFFFFFD, s24;
	s25 =	simm.s32 @!p1 $0x1  }
0x5c: {  	s24 =	ssub.s32 $0x4, s24;
	p1 =	sgt.s32 s27, $0x0;
	s25 =	sadd.s32 s26, s25  }
0x5d: {  	s26 =	smov.u32 s22;
	s27 =	sshra.s32 s22, $0x1F;
	s24 =	simm.s32 @p1 $0x0  }
0x5e: {  	p1 =	sgt.s32 s25, $0x0;
	s25 =	ssub.s32 $0x1, s25;
	s31 =	sand.u32 s27, s22  }
0x5f: {  	s27 =	sshra.s32 s20, $0x1F;
	s25 =	simm.s32 @p1 $0x0;
	p1 =	sgt.s32 s22, $0x3  }
0x60: {  	s27 =	sand.u32 s27, s20;
	s24 =	smul.u32 s25, s24;
	s26 =	simm.s32 @!p1 $0x3  }
0x61: {  	p1 =	sgt.s32 s20, $0x1;
	s25 =	ssub.s32 s26, s31;
	s26 =	smov.u32 s20  }
0x62: {  	s27 =	sxor.u32 $0xFFFFFFFF, s27;
	s28 =	sadd.s32 $0xFFFFFFFD, s25;
	s26 =	simm.s32 @!p1 $0x1  }
0x63: {  	s25 =	ssub.s32 $0x4, s25;
	p1 =	sgt.s32 s28, $0x0;
	s26 =	sadd.s32 s27, s26  }
0x64: {  	s27 =	sshra.s32 s18, $0x1F;
	s25 =	simm.s32 @p1 $0x0;
	p1 =	sgt.s32 s26, $0x0  }
0x65: {  	s30 =	sand.u32 s27, s18;
	s24 =	smul.u32 s25, s24;
	s25 =	ssub.s32 $0x1, s26  }
0x66: {  	s26 =	smov.u32 s18;
	s25 =	simm.s32 @p1 $0x0;
	p1 =	sgt.s32 s18, $0x178  }
0x67: {  	s27 =	sshra.s32 s19, $0x1F;
	s24 =	smul.u32 s25, s24;
	s26 =	simm.s32 @!p1 $0x178  }
0x68: {  	p1 =	sgt.s32 s19, $0x380;
	s25 =	ssub.s32 s26, s30;
	s26 =	smov.u32 s19  }
0x69: {  	s27 =	sand.u32 s27, s19;
	s28 =	sadd.s32 $0xFFFFFE88, s25;
	s26 =	simm.s32 @!p1 $0x380  }
0x6a: {  	s25 =	ssub.s32 $0x1F8, s25;
	p1 =	sgt.s32 s28, $0x7F;
	s26 =	ssub.s32 s26, s27  }
0x6b: {  	s25 =	simm.s32 @p1 $0x0;
	s27 =	sadd.s32 $0xFFFFFC80, s26  }
0x6c: {  	s24 =	smul.u32 s25, s24;
	p1 =	sgt.s32 s27, $0x7F;
	s25 =	ssub.s32 $0x400, s26  }
0x6d: {  	s25 =	simm.s32 @p1 $0x0  }
0x6e: {  	s24 =	smul.u32 s25, s24;
	_ =	sdelay $0x1  }
0x6f: {  	s25 =	simm.s32 $0x1;
	s24 =	sand.u32 $0x3FFFFFFF, s24  }
0x70: {  	s25 =	simm.s32 @!p0 $0x0;
	_ =	swait.ge [sflag:s6], s24  }
0x71: {  	s31 =	sshll.u32 s25, $0xE;
	s24 =	ssub.s32 $0x0, s24;
	[sflag:s6] =	ssyncset.done $0x0  }
0x72: {  	s27 =	sor.u32 $0x40, s31;
	[sflag:s6] =	ssyncadd.s32 s24  }
0x73: {  	s30 =	smul.u32 $0x10200, s25;
	v0 =	vld [tilespmem:s27+$0x30]  }
0x74: {  	v3 =	vld [tilespmem:s27+$0xFFFFFFD0]  }
0x75: {  	s24 =	sshrl.u32 s30, $0x2;
	v4 =	vld [tilespmem:s27+$0xFFFFFFE0]  }
0x76: {  	s25 =	sor.u32 $0x8000, s24;
	v5 =	vld [tilespmem:s27+$0xFFFFFFF0]  }
0x77: {  	s31 =	sand.u32 $0x1, s17;
	v1 =	vld [tilespmem:s27+$0x0];
	s26 =	sadd.s32 $0x0, s25  }
0x78: {  	s24 =	smul.u32 $0x10200, s31;
	v2 =	vld [tilespmem:s27+$0x10];
	[tilespmem:s26+$0x3870 ss:$0x81] =	vst.msk $0xffff, v0  }
0x79: {  	[tilespmem:s26+$0x810 ss:$0x81] =	vst.msk $0xffff, v3;
	v3 =	vld [tilespmem:s27+$0x20]  }
0x7a: {  	s24 =	sshrl.u32 s24, $0x2;
	v0 =	vld [tilespmem:s27+$0xFFFFFFC0];
	[tilespmem:s26+$0x1020 ss:$0x81] =	vst.msk $0xffff, v4;
	s27 =	sadd.s32 $0x80, s27  }
0x7b: {  	s29 =	simm.s32 $0x8;
	s28 =	simm.s32 $0x4;
	s24 =	sor.u32 $0x8000, s24;
	[tilespmem:s26+$0x1830 ss:$0x81] =	vst.msk $0xffff, v5;
	v4 =	vld [tilespmem:s27+$0x30]  }
.LBB1_5:
0x7c: {  	p1 =	sne.s32 s29, $0x1FC;
	v5 =	vld [tilespmem:s27+$0xFFFFFFD0];
	[tilespmem:s26+$0x2040 ss:$0x81] =	vst.msk $0xffff, v1  }
0x7d: {  	v6 =	vld [tilespmem:s27+$0xFFFFFFE0];
	[tilespmem:s26+$0x2850 ss:$0x81] =	vst.msk $0xffff, v2  }
0x7e: {  	s30 =	sshra.s32 s28, $0x2;
	s28 =	smov.u32 s29;
	v7 =	vld [tilespmem:s27+$0xFFFFFFF0];
	[tilespmem:s26+$0x3060 ss:$0x81] =	vst.msk $0xffff, v3  }
.Ltmp4:
0x7f: {  	v1 =	vld [tilespmem:s27+$0x0];
	[tilespmem:s26+$0x0 ss:$0x81] =	vst.msk $0xffff, v0;
	s26 =	sadd.s32 s30, s25;
	(pc) =	sbr.rel @p1 .LBB1_5-.Ltmp4, $4  }
0x80: {  	v2 =	vld [tilespmem:s27+$0x10];
	[tilespmem:s26+$0x3870 ss:$0x81] =	vst.msk $0xffff, v4  }
0x81: {  	[tilespmem:s26+$0x810 ss:$0x81] =	vst.msk $0xffff, v5;
	v3 =	vld [tilespmem:s27+$0x20]  }
0x82: {  	v0 =	vld [tilespmem:s27+$0xFFFFFFC0];
	[tilespmem:s26+$0x1020 ss:$0x81] =	vst.msk $0xffff, v6;
	s27 =	sadd.s32 $0x80, s27  }
0x83: {  	s29 =	sadd.s32 $0x4, s29;
	v4 =	vld [tilespmem:s27+$0x30];
	[tilespmem:s26+$0x1830 ss:$0x81] =	vst.msk $0xffff, v7  }
.Ltmp5:
0x84: {  	_ = 	snop;
	(pc) =	sbr.rel .LBB1_6-.Ltmp5, $1  }
0x85: {  	_ =	sdelay $0x3  }
.LBB1_8:
0x86: {  	_ =	sfence.sel $0x180000  }
0x87: {  	s2 =	simm.s32 $0x1;
	[bflag:$0x0] =	sbarrier.arrive $0xFFFF  }
0x88: {  	s31 =	simm.s32 $0x2;
	[sflag:s2] =	ssyncpa.u1 $0x1  }
0x89: {  	[sflag:s31] =	ssyncpa.u1 $0x1  }
0x8a: {  	p0 =	sne.s32 s1, $0x0;
	_ =	strace $0x9000004D  }
0x8b: {  	s0 =	sadd.s32 @!p0 $0x100000, s0;
	[bflag:$0x2] =	sbarrier.arrive $0xFFFF  }
0x8c: {  	[sflag:s0] =	ssyncadd.tile.s32 @!p0 $0x1;
	_ =	shalt  }
.Lfunc_end1:
_tile_overlayer_lowered:
.L_overlay_start_2:
0x8d: {  	(tag) =	ssettag $0x2  }
0x8e: {  	s0 =	rddreg [dreg:$0x0];
	s2 =	stileid.u32  }
0x8f: {  	s1 =	rddreg [dreg:$0x1];
	p0 =	sne.s32 s2, $0x0  }
0x90: {  	s3 =	rddreg [dreg:$0x2];
	[bflag:$0x3] =	sbarrier.arrive $0xFFFF;
	s2 =	simm.s32 @!p0 $0x1C01  }
0x91: {  	[timem:s3], [sflag:s2] =	dma.local @!p0 [hbm:s0], s1  }
0x92: {  	s0 =	simm.s32 @!p0 $0x1  }
0x93: {  	_ =	swait.ge @!p0 [sflag:s0], s1  }
0x94: {  	s1 =	ssub.s32 @!p0 $0x0, s1;
	[sflag:s0] =	ssyncset.done @!p0 $0x0  }
0x95: {  	[sflag:s0] =	ssyncadd.s32 @!p0 s1  }
0x96: {  	[bflag:$0x3] =	sbarrier.arrive $0xFFFF  }
0x97: {  	_ =	shalt  }

</sc_bundles>
